<compile_context>
chip_gen: v7x
topology: tpu7x:2x2x1
jax: 0.10.2.dev20260603
libtpu: 0.0.44.dev20260713+nightly
codegen_flags: <defaults>
</compile_context>

<pallas_src>
import functools

import jax
import jax.numpy as jnp
from jax import lax
from jax.experimental import pallas as pl
from jax.experimental.pallas import tpu as pltpu
from jax.experimental.pallas import tpu_sc as plsc

_N = 10000
_E = 320000
_G = 16
_D = 128
_NC = 2
_NS = 16
_NW = _NC * _NS
_CH = 128
_K = 79
_EP = _NW * _K * _CH
_NP = 10112
_RT = _NP // _NS

_BR = 2528


@functools.lru_cache(maxsize=None)
def _build_sc_degree():
    mesh = plsc.VectorSubcoreMesh(
        core_axis_name="c", subcore_axis_name="s",
        num_cores=_NC, num_subcores=_NS)

    @functools.partial(
        pl.kernel,
        out_type=jax.ShapeDtypeStruct((_NC, _NP, _D), jnp.float32),
        mesh=mesh,
        scratch_types=[
            pltpu.VMEM_SHARED((_NP, _D), jnp.float32),
            pltpu.VMEM((_K, _CH), jnp.int32),
            pltpu.VMEM((_CH, _D), jnp.float32),
        ],
    )
    def deg_kernel(dst_hbm, ones_hbm, zeros_hbm, out_hbm, acc_sh, idx_v, ones_v):
        c = lax.axis_index("c")
        s = lax.axis_index("s")
        w = c * _NS + s
        r0 = s * _RT
        pltpu.sync_copy(zeros_hbm.at[pl.ds(r0, _RT)], acc_sh.at[pl.ds(r0, _RT)])
        pltpu.sync_copy(ones_hbm, ones_v)
        pltpu.sync_copy(dst_hbm.at[w], idx_v)
        plsc.subcore_barrier()

        def body(j, carry):
            pltpu.sync_copy(ones_v, acc_sh.at[idx_v.at[j]], add=True)
            return carry

        lax.fori_loop(0, _K, body, 0)
        plsc.subcore_barrier()
        pltpu.sync_copy(acc_sh.at[pl.ds(r0, _RT)], out_hbm.at[c, pl.ds(r0, _RT)])

    return deg_kernel


@functools.lru_cache(maxsize=None)
def _build_sc_scatter():
    mesh = plsc.VectorSubcoreMesh(
        core_axis_name="c", subcore_axis_name="s",
        num_cores=_NC, num_subcores=_NS)

    @functools.partial(
        pl.kernel,
        out_type=jax.ShapeDtypeStruct((_NC, _NP, _D), jnp.float32),
        mesh=mesh,
        scratch_types=[
            pltpu.VMEM_SHARED((_NP, _D), jnp.float32),
            pltpu.VMEM((_K, _CH), jnp.int32),
            pltpu.VMEM((_K, _CH), jnp.int32),
            pltpu.VMEM((_CH, _D), jnp.float32),
            pltpu.SemaphoreType.DMA,
        ],
    )
    def mp_kernel(g_hbm, src_hbm, dst_hbm, zeros_hbm, out_hbm,
                  acc_sh, src_v, dst_v, rows_v, sem):
        c = lax.axis_index("c")
        s = lax.axis_index("s")
        w = c * _NS + s
        r0 = s * _RT
        pltpu.sync_copy(zeros_hbm.at[pl.ds(r0, _RT)], acc_sh.at[pl.ds(r0, _RT)])
        pltpu.sync_copy(src_hbm.at[w], src_v)
        pltpu.sync_copy(dst_hbm.at[w], dst_v)
        plsc.subcore_barrier()

        def body(j, carry):
            pltpu.async_copy(g_hbm.at[src_v.at[j]], rows_v, sem).wait()
            pltpu.sync_copy(rows_v, acc_sh.at[dst_v.at[j]], add=True)
            return carry

        lax.fori_loop(0, _K, body, 0)
        plsc.subcore_barrier()
        pltpu.sync_copy(acc_sh.at[pl.ds(r0, _RT)], out_hbm.at[c, pl.ds(r0, _RT)])

    return mp_kernel


def _sc_degree(dst, ones, zeros):
    return _build_sc_degree()(dst, ones, zeros)


def _sc_scatter(g, src, dst, zeros128):
    return _build_sc_scatter()(g, src, dst, zeros128)



def _tc_prep_body(x_ref, degp_ref, w_ref, g_ref, dinv_ref):
    deg = degp_ref[0, :, 0:1] + degp_ref[1, :, 0:1] + 1.0
    dinv = lax.rsqrt(deg)
    h = jnp.dot(x_ref[...], w_ref[...], preferred_element_type=jnp.float32)
    g_ref[...] = h * dinv
    dinv_ref[...] = dinv


def _tc_prep(xp, degp, W1):
    grid = _NP // _BR
    return pl.pallas_call(
        _tc_prep_body,
        grid=(grid,),
        in_specs=[
            pl.BlockSpec((_BR, _D), lambda i: (i, 0)),
            pl.BlockSpec((_NC, _BR, _D), lambda i: (0, i, 0)),
            pl.BlockSpec((_D, _D), lambda i: (0, 0)),
        ],
        out_specs=[
            pl.BlockSpec((_BR, _D), lambda i: (i, 0)),
            pl.BlockSpec((_BR, 1), lambda i: (i, 0)),
        ],
        out_shape=[
            jax.ShapeDtypeStruct((_NP, _D), jnp.float32),
            jax.ShapeDtypeStruct((_NP, 1), jnp.float32),
        ],
    )(xp, degp, W1)


def _tc_layer_body(p_ref, g_ref, dinv_ref, b_ref, w_ref, gn_ref):
    dinv = dinv_ref[...]
    y = jnp.maximum(dinv * (p_ref[0] + p_ref[1] + g_ref[...]) + b_ref[...], 0.0)
    gn_ref[...] = jnp.dot(y, w_ref[...], preferred_element_type=jnp.float32) * dinv


def _tc_layer(p, g, dinv, b, Wn):
    grid = _NP // _BR
    return pl.pallas_call(
        _tc_layer_body,
        grid=(grid,),
        in_specs=[
            pl.BlockSpec((_NC, _BR, _D), lambda i: (0, i, 0)),
            pl.BlockSpec((_BR, _D), lambda i: (i, 0)),
            pl.BlockSpec((_BR, 1), lambda i: (i, 0)),
            pl.BlockSpec((1, _D), lambda i: (0, 0)),
            pl.BlockSpec((_D, _D), lambda i: (0, 0)),
        ],
        out_specs=pl.BlockSpec((_BR, _D), lambda i: (i, 0)),
        out_shape=jax.ShapeDtypeStruct((_NP, _D), jnp.float32),
    )(p, g, dinv, b, Wn)


def _tc_head_body(p_ref, g_ref, dinv_ref, b_ref, batch_ref, wm1_ref, bm1_ref,
                  wm2_ref, bm2_ref, out_ref, acc_ref, cnt_ref):
    i = pl.program_id(0)

    @pl.when(i == 0)
    def _():
        acc_ref[...] = jnp.zeros_like(acc_ref)
        cnt_ref[...] = jnp.zeros_like(cnt_ref)

    dinv = dinv_ref[...]
    y = jnp.maximum(dinv * (p_ref[0] + p_ref[1] + g_ref[...]) + b_ref[...], 0.0)
    m = (batch_ref[...] == lax.broadcasted_iota(jnp.int32, (_BR, _G), 1)
         ).astype(jnp.float32)
    dn = (((0,), (0,)), ((), ()))
    acc_ref[...] += lax.dot_general(m, y, dn, preferred_element_type=jnp.float32)
    cnt_ref[...] += lax.dot_general(m, jnp.ones((_BR, 1), jnp.float32), dn,
                                    preferred_element_type=jnp.float32)

    @pl.when(i == pl.num_programs(0) - 1)
    def _():
        pooled = acc_ref[...] / jnp.maximum(cnt_ref[...], 1.0)
        z = jnp.maximum(
            jnp.dot(pooled, wm1_ref[...], preferred_element_type=jnp.float32)
            + bm1_ref[...], 0.0)
        out_ref[...] = (
            jnp.dot(z, wm2_ref[...], preferred_element_type=jnp.float32)
            + bm2_ref[...])


def _tc_head(p, g, dinv, b, batch2d, Wm1, bm1, Wm2, bm2):
    grid = _NP // _BR
    return pl.pallas_call(
        _tc_head_body,
        grid=(grid,),
        in_specs=[
            pl.BlockSpec((_NC, _BR, _D), lambda i: (0, i, 0)),
            pl.BlockSpec((_BR, _D), lambda i: (i, 0)),
            pl.BlockSpec((_BR, 1), lambda i: (i, 0)),
            pl.BlockSpec((1, _D), lambda i: (0, 0)),
            pl.BlockSpec((_BR, 1), lambda i: (i, 0)),
            pl.BlockSpec((_D, _D // 2), lambda i: (0, 0)),
            pl.BlockSpec((1, _D // 2), lambda i: (0, 0)),
            pl.BlockSpec((_D // 2, 10), lambda i: (0, 0)),
            pl.BlockSpec((1, 10), lambda i: (0, 0)),
        ],
        out_specs=pl.BlockSpec((_G, 10), lambda i: (0, 0)),
        out_shape=jax.ShapeDtypeStruct((_G, 10), jnp.float32),
        scratch_shapes=[
            pltpu.VMEM((_G, _D), jnp.float32),
            pltpu.VMEM((_G, 1), jnp.float32),
        ],
    )(p, g, dinv, b, batch2d, Wm1, bm1, Wm2, bm2)



def kernel(x, edge_index, batch, W1, b1, W2, b2, W3, b3, Wm1, bm1, Wm2, bm2):
    pad = _EP - _E
    src = jnp.concatenate(
        [edge_index[0], jnp.zeros((pad,), jnp.int32)]).reshape(_NW, _K, _CH)
    dst = jnp.concatenate(
        [edge_index[1], jnp.full((pad,), _N, jnp.int32)]).reshape(_NW, _K, _CH)
    xp = jnp.pad(x, ((0, _NP - _N), (0, 0)))
    batch2d = jnp.concatenate(
        [batch, jnp.full((_NP - _N,), _G, jnp.int32)]).reshape(_NP, 1)
    zeros128 = jnp.zeros((_NP, _D), jnp.float32)
    ones128 = jnp.ones((_CH, _D), jnp.float32)

    degp = _sc_degree(dst, ones128, zeros128)
    g1, dinv = _tc_prep(xp, degp, W1)
    p1 = _sc_scatter(g1, src, dst, zeros128)
    g2 = _tc_layer(p1, g1, dinv, b1.reshape(1, _D), W2)
    p2 = _sc_scatter(g2, src, dst, zeros128)
    g3 = _tc_layer(p2, g2, dinv, b2.reshape(1, _D), W3)
    p3 = _sc_scatter(g3, src, dst, zeros128)
    return _tc_head(p3, g3, dinv, b3.reshape(1, _D), batch2d,
                    Wm1, bm1.reshape(1, _D // 2), Wm2, bm2.reshape(1, 10))

# --- scband reference (transcript-rebuilt; emitter-appended) ---
"""Pipeline reference for scband-gcnnet-84817014161590 (READ-ONLY COPY).

The authoritative reference and input builder live on the scoring server;
editing this copy changes nothing except your own understanding.
"""

import jax, jax.numpy as jnp
import numpy as np

N = 10000
E = 320000
G = 16
D_IN = 128
D_H = 128
D_OUT = 10


def setup_inputs(seed: int = 0) -> dict:
    key = jax.random.key(seed)
    ks = jax.random.split(key, 16)
    x = jax.random.normal(ks[0], (N, D_IN), dtype=jnp.float32)
    edge_index = jax.random.randint(ks[1], (2, E), 0, N, dtype=jnp.int32)
    batch = jnp.sort(jax.random.randint(ks[2], (N,), 0, G, dtype=jnp.int32))
    def glorot(k, shape):
        fan_in, fan_out = shape[0], shape[1]
        lim = jnp.sqrt(6.0 / (fan_in + fan_out))
        return jax.random.uniform(k, shape, dtype=jnp.float32, minval=-lim, maxval=lim)
    W1 = glorot(ks[3], (D_IN, D_H)); b1 = jnp.zeros((D_H,), jnp.float32)
    W2 = glorot(ks[4], (D_H, D_H)); b2 = jnp.zeros((D_H,), jnp.float32)
    W3 = glorot(ks[5], (D_H, D_H)); b3 = jnp.zeros((D_H,), jnp.float32)
    Wm1 = glorot(ks[6], (D_H, D_H // 2)); bm1 = jnp.zeros((D_H // 2,), jnp.float32)
    Wm2 = glorot(ks[7], (D_H // 2, D_OUT)); bm2 = jnp.zeros((D_OUT,), jnp.float32)
    return {"x": x, "edge_index": edge_index, "batch": batch,
            "W1": W1, "b1": b1, "W2": W2, "b2": b2, "W3": W3, "b3": b3,
            "Wm1": Wm1, "bm1": bm1, "Wm2": Wm2, "bm2": bm2}


def _gcn_conv(x, src, dst, W, b):
    # PyG GCNConv: transform, add self-loops, symmetric normalization, scatter-add, bias
    h = x @ W
    loop = jnp.arange(N, dtype=src.dtype)
    s = jnp.concatenate([src, loop])
    d = jnp.concatenate([dst, loop])
    deg = jax.ops.segment_sum(jnp.ones_like(d, dtype=h.dtype), d, num_segments=N)
    dinv = jnp.where(deg > 0, jax.lax.rsqrt(deg), 0.0)
    norm = dinv[s] * dinv[d]
    msg = h[s] * norm[:, None]
    out = jax.ops.segment_sum(msg, d, num_segments=N)
    return out + b


def reference(x, edge_index, batch, W1, b1, W2, b2, W3, b3, Wm1, bm1, Wm2, bm2):
    src, dst = edge_index[0], edge_index[1]
    h = jax.nn.relu(_gcn_conv(x, src, dst, W1, b1))
    h = jax.nn.relu(_gcn_conv(h, src, dst, W2, b2))
    h = jax.nn.relu(_gcn_conv(h, src, dst, W3, b3))
    # global_mean_pool
    s = jax.ops.segment_sum(h, batch, num_segments=G)
    cnt = jax.ops.segment_sum(jnp.ones((N,), h.dtype), batch, num_segments=G)
    pooled = s / jnp.maximum(cnt, 1.0)[:, None]
    # MLP (dropout is identity in eval)
    z = jax.nn.relu(pooled @ Wm1 + bm1)
    return z @ Wm2 + bm2

if __name__ == "__main__":
    import jax
    _d = setup_inputs()
    print(jax.jit(kernel)(*tuple(_d.values())))

</pallas_src>

<mosaic_0001>
#map = affine_map<(d0, d1) -> (0, 0, 0)>
#map1 = affine_map<(d0, d1) -> (0, 0)>
module attributes {stable_mosaic.version = 14 : i64} {
  func.func @deg_kernel(%arg0: i32, %arg1: i32, %arg2: memref<32x79x128xi32, #tpu.memory_space<hbm>>, %arg3: memref<128x128xf32, #tpu.memory_space<hbm>>, %arg4: memref<10112x128xf32, #tpu.memory_space<hbm>>, %arg5: memref<2x10112x128xf32, #tpu.memory_space<hbm>>, %arg6: memref<10112x128xf32, #tpu.memory_space<vmem_shared>>, %arg7: memref<79x128xi32, #tpu.memory_space<vmem>>, %arg8: memref<128x128xf32, #tpu.memory_space<vmem>>) attributes {dimension_semantics = [#tpu.dimension_semantics<core_parallel>, #tpu.dimension_semantics<subcore_parallel>], iteration_bounds = array<i64: 2, 16>, scalar_prefetch = 0 : i64, scratch_operands = 3 : i64, tpu.core_type = #tpu.core_type<sc_vector_subcore>, window_params = [{transform_indices = #map}, {transform_indices = #map1}, {transform_indices = #map1}, {transform_indices = #map}]} {
    %mul3A = arith.constant 16 : i32
    %mul3A_0 = arith.muli %arg0, %mul3A : i32
    %add3A = arith.addi %mul3A_0, %arg1 : i32
    %mul3A_1 = arith.constant 632 : i32
    %mul3A_2 = arith.muli %arg1, %mul3A_1 : i32
    "tpu.region"() ({
      %run_scoped3A = tpu.sem_alloc : memref<!tpu.dma_semaphore, #tpu.memory_space<semaphore_mem>>
      %dma_start3A = arith.constant 0 : i32
      %dma_start3A_9 = tpu.memref_slice %arg6[%mul3A_2, %dma_start3A] : memref<10112x128xf32, #tpu.memory_space<vmem_shared>> -> memref<632x128xf32, #tpu.memory_space<vmem_shared>>
      %dma_start3A_10 = arith.constant 0 : i32
      %dma_start3A_11 = tpu.memref_slice %arg4[%mul3A_2, %dma_start3A_10] : memref<10112x128xf32, #tpu.memory_space<hbm>> -> memref<632x128xf32, #tpu.memory_space<hbm>>
      tpu.enqueue_dma source(%dma_start3A_11 : memref<632x128xf32, #tpu.memory_space<hbm>>) target(%dma_start3A_9 : memref<632x128xf32, #tpu.memory_space<vmem_shared>>) target_semaphore(%run_scoped3A : memref<!tpu.dma_semaphore, #tpu.memory_space<semaphore_mem>>)
      %dma_wait3A = arith.constant 0 : i32
      %dma_wait3A_12 = tpu.memref_slice %arg6[%mul3A_2, %dma_wait3A] : memref<10112x128xf32, #tpu.memory_space<vmem_shared>> -> memref<632x128xf32, #tpu.memory_space<vmem_shared>>
      %dma_wait3A_13 = arith.constant 0 : i32
      %dma_wait3A_14 = tpu.memref_slice %arg4[%mul3A_2, %dma_wait3A_13] : memref<10112x128xf32, #tpu.memory_space<hbm>> -> memref<632x128xf32, #tpu.memory_space<hbm>>
      tpu.wait_dma2 semaphore(%run_scoped3A : memref<!tpu.dma_semaphore, #tpu.memory_space<semaphore_mem>>) src(%dma_wait3A_14 : memref<632x128xf32, #tpu.memory_space<hbm>>) dst(%dma_wait3A_12 : memref<632x128xf32, #tpu.memory_space<vmem_shared>>)
      tpu.yield
    }) : () -> ()
    "tpu.region"() ({
      %run_scoped3A = tpu.sem_alloc : memref<!tpu.dma_semaphore, #tpu.memory_space<semaphore_mem>>
      tpu.enqueue_dma source(%arg3 : memref<128x128xf32, #tpu.memory_space<hbm>>) target(%arg8 : memref<128x128xf32, #tpu.memory_space<vmem>>) target_semaphore(%run_scoped3A : memref<!tpu.dma_semaphore, #tpu.memory_space<semaphore_mem>>)
      tpu.wait_dma2 semaphore(%run_scoped3A : memref<!tpu.dma_semaphore, #tpu.memory_space<semaphore_mem>>) src(%arg3 : memref<128x128xf32, #tpu.memory_space<hbm>>) dst(%arg8 : memref<128x128xf32, #tpu.memory_space<vmem>>)
      tpu.yield
    }) : () -> ()
    "tpu.region"() ({
      %run_scoped3A = tpu.sem_alloc : memref<!tpu.dma_semaphore, #tpu.memory_space<semaphore_mem>>
      %dma_start3A = arith.constant 0 : i32
      %dma_start3A_9 = arith.constant 0 : i32
      %dma_start3A_10 = tpu.memref_slice %arg2[%add3A, %dma_start3A, %dma_start3A_9] : memref<32x79x128xi32, #tpu.memory_space<hbm>> -> memref<1x79x128xi32, #tpu.memory_space<hbm>>
      %dma_start3A_11 = tpu.memref_squeeze %dma_start3A_10 : memref<1x79x128xi32, #tpu.memory_space<hbm>> -> memref<79x128xi32, #tpu.memory_space<hbm>>
      %dma_start3A_12 = arith.constant 0 : i32
      %dma_start3A_13 = arith.constant 0 : i32
      %dma_start3A_14 = tpu.memref_slice %arg2[%add3A, %dma_start3A_12, %dma_start3A_13] : memref<32x79x128xi32, #tpu.memory_space<hbm>> -> memref<1x79x128xi32, #tpu.memory_space<hbm>>
      %dma_start3A_15 = tpu.memref_squeeze %dma_start3A_14 : memref<1x79x128xi32, #tpu.memory_space<hbm>> -> memref<79x128xi32, #tpu.memory_space<hbm>>
      tpu.enqueue_dma source(%dma_start3A_15 : memref<79x128xi32, #tpu.memory_space<hbm>>) target(%arg7 : memref<79x128xi32, #tpu.memory_space<vmem>>) target_semaphore(%run_scoped3A : memref<!tpu.dma_semaphore, #tpu.memory_space<semaphore_mem>>)
      %dma_wait3A = arith.constant 0 : i32
      %dma_wait3A_16 = arith.constant 0 : i32
      %dma_wait3A_17 = tpu.memref_slice %arg2[%add3A, %dma_wait3A, %dma_wait3A_16] : memref<32x79x128xi32, #tpu.memory_space<hbm>> -> memref<1x79x128xi32, #tpu.memory_space<hbm>>
      %dma_wait3A_18 = tpu.memref_squeeze %dma_wait3A_17 : memref<1x79x128xi32, #tpu.memory_space<hbm>> -> memref<79x128xi32, #tpu.memory_space<hbm>>
      %dma_wait3A_19 = arith.constant 0 : i32
      %dma_wait3A_20 = arith.constant 0 : i32
      %dma_wait3A_21 = tpu.memref_slice %arg2[%add3A, %dma_wait3A_19, %dma_wait3A_20] : memref<32x79x128xi32, #tpu.memory_space<hbm>> -> memref<1x79x128xi32, #tpu.memory_space<hbm>>
      %dma_wait3A_22 = tpu.memref_squeeze %dma_wait3A_21 : memref<1x79x128xi32, #tpu.memory_space<hbm>> -> memref<79x128xi32, #tpu.memory_space<hbm>>
      tpu.wait_dma2 semaphore(%run_scoped3A : memref<!tpu.dma_semaphore, #tpu.memory_space<semaphore_mem>>) src(%dma_wait3A_22 : memref<79x128xi32, #tpu.memory_space<hbm>>) dst(%arg7 : memref<79x128xi32, #tpu.memory_space<vmem>>)
      tpu.yield
    }) : () -> ()
    %barrier3A = arith.constant 0 : index
    tpu.barrier barrier_id(%barrier3A)
    %scan3A = arith.constant 0 : i32
    %scan3A_3 = arith.constant 0 : i32
    %scan3A_4 = arith.constant 79 : i32
    %scan3A_5 = arith.addi %scan3A_3, %scan3A_4 : i32
    %scan3A_6 = arith.constant 1 : i32
    scf.for %scan3A_9 = %scan3A_3 to %scan3A_5 step %scan3A_6  : i32 {
      "tpu.region"() ({
        %run_scoped3A = tpu.sem_alloc : memref<!tpu.dma_semaphore, #tpu.memory_space<semaphore_mem>>
        %dma_start3A = arith.constant 0 : i32
        %dma_start3A_10 = tpu.memref_slice %arg7[%scan3A_9, %dma_start3A] : memref<79x128xi32, #tpu.memory_space<vmem>> -> memref<1x128xi32, #tpu.memory_space<vmem>>
        %dma_start3A_11 = tpu.memref_squeeze %dma_start3A_10 : memref<1x128xi32, #tpu.memory_space<vmem>> -> memref<128xi32, #tpu.memory_space<vmem>>
        %dma_start3A_12 = arith.constant 0 : i32
        %dma_start3A_13 = arith.constant 0 : i32
        %dma_start3A_14 = tpu.memref_slice %arg6[%dma_start3A_12, %dma_start3A_13] : memref<10112x128xf32, #tpu.memory_space<vmem_shared>> -> memref<10112x128xf32, #tpu.memory_space<vmem_shared>>
        tpu.enqueue_indirect_dma source(%arg8 : memref<128x128xf32, #tpu.memory_space<vmem>>) target(%dma_start3A_14 : memref<10112x128xf32, #tpu.memory_space<vmem_shared>>) offsets(%dma_start3A_11 : memref<128xi32, #tpu.memory_space<vmem>>) semaphore(%run_scoped3A : memref<!tpu.dma_semaphore, #tpu.memory_space<semaphore_mem>>) {add = true}
        %dma_wait3A = arith.constant 0 : i32
        %dma_wait3A_15 = tpu.memref_slice %arg7[%scan3A_9, %dma_wait3A] : memref<79x128xi32, #tpu.memory_space<vmem>> -> memref<1x128xi32, #tpu.memory_space<vmem>>
        %dma_wait3A_16 = tpu.memref_squeeze %dma_wait3A_15 : memref<1x128xi32, #tpu.memory_space<vmem>> -> memref<128xi32, #tpu.memory_space<vmem>>
        %dma_wait3A_17 = arith.constant 0 : i32
        %dma_wait3A_18 = arith.constant 0 : i32
        %dma_wait3A_19 = tpu.memref_slice %arg6[%dma_wait3A_17, %dma_wait3A_18] : memref<10112x128xf32, #tpu.memory_space<vmem_shared>> -> memref<10112x128xf32, #tpu.memory_space<vmem_shared>>
        tpu.wait_indirect_dma semaphore(%run_scoped3A : memref<!tpu.dma_semaphore, #tpu.memory_space<semaphore_mem>>) src(%arg8 : memref<128x128xf32, #tpu.memory_space<vmem>>) dst(%dma_wait3A_19 : memref<10112x128xf32, #tpu.memory_space<vmem_shared>>)
        tpu.yield
      }) : () -> ()
    }
    %scan3A_7 = arith.constant 79 : i32
    %barrier3A_8 = arith.constant 0 : index
    tpu.barrier barrier_id(%barrier3A_8)
    "tpu.region"() ({
      %run_scoped3A = tpu.sem_alloc : memref<!tpu.dma_semaphore, #tpu.memory_space<semaphore_mem>>
      %dma_start3A = arith.constant 0 : i32
      %dma_start3A_9 = tpu.memref_slice %arg5[%arg0, %mul3A_2, %dma_start3A] : memref<2x10112x128xf32, #tpu.memory_space<hbm>> -> memref<1x632x128xf32, #tpu.memory_space<hbm>>
      %dma_start3A_10 = tpu.memref_squeeze %dma_start3A_9 : memref<1x632x128xf32, #tpu.memory_space<hbm>> -> memref<632x128xf32, #tpu.memory_space<hbm>>
      %dma_start3A_11 = arith.constant 0 : i32
      %dma_start3A_12 = tpu.memref_slice %arg6[%mul3A_2, %dma_start3A_11] : memref<10112x128xf32, #tpu.memory_space<vmem_shared>> -> memref<632x128xf32, #tpu.memory_space<vmem_shared>>
      tpu.enqueue_dma source(%dma_start3A_12 : memref<632x128xf32, #tpu.memory_space<vmem_shared>>) target(%dma_start3A_10 : memref<632x128xf32, #tpu.memory_space<hbm>>) target_semaphore(%run_scoped3A : memref<!tpu.dma_semaphore, #tpu.memory_space<semaphore_mem>>)
      %dma_wait3A = arith.constant 0 : i32
      %dma_wait3A_13 = tpu.memref_slice %arg5[%arg0, %mul3A_2, %dma_wait3A] : memref<2x10112x128xf32, #tpu.memory_space<hbm>> -> memref<1x632x128xf32, #tpu.memory_space<hbm>>
      %dma_wait3A_14 = tpu.memref_squeeze %dma_wait3A_13 : memref<1x632x128xf32, #tpu.memory_space<hbm>> -> memref<632x128xf32, #tpu.memory_space<hbm>>
      %dma_wait3A_15 = arith.constant 0 : i32
      %dma_wait3A_16 = tpu.memref_slice %arg6[%mul3A_2, %dma_wait3A_15] : memref<10112x128xf32, #tpu.memory_space<vmem_shared>> -> memref<632x128xf32, #tpu.memory_space<vmem_shared>>
      tpu.wait_dma2 semaphore(%run_scoped3A : memref<!tpu.dma_semaphore, #tpu.memory_space<semaphore_mem>>) src(%dma_wait3A_16 : memref<632x128xf32, #tpu.memory_space<vmem_shared>>) dst(%dma_wait3A_14 : memref<632x128xf32, #tpu.memory_space<hbm>>)
      tpu.yield
    }) : () -> ()
    return
  }
}

#map = affine_map<(d0, d1) -> (0, 0)>
#map1 = affine_map<(d0, d1) -> (0, 0, 0)>
module attributes {stable_mosaic.version = 14 : i64} {
  func.func @mp_kernel(%arg0: i32, %arg1: i32, %arg2: memref<10112x128xf32, #tpu.memory_space<hbm>>, %arg3: memref<32x79x128xi32, #tpu.memory_space<hbm>>, %arg4: memref<32x79x128xi32, #tpu.memory_space<hbm>>, %arg5: memref<10112x128xf32, #tpu.memory_space<hbm>>, %arg6: memref<2x10112x128xf32, #tpu.memory_space<hbm>>, %arg7: memref<10112x128xf32, #tpu.memory_space<vmem_shared>>, %arg8: memref<79x128xi32, #tpu.memory_space<vmem>>, %arg9: memref<79x128xi32, #tpu.memory_space<vmem>>, %arg10: memref<128x128xf32, #tpu.memory_space<vmem>>, %arg11: memref<!tpu.dma_semaphore, #tpu.memory_space<semaphore_mem>>) attributes {dimension_semantics = [#tpu.dimension_semantics<core_parallel>, #tpu.dimension_semantics<subcore_parallel>], iteration_bounds = array<i64: 2, 16>, scalar_prefetch = 0 : i64, scratch_operands = 5 : i64, tpu.core_type = #tpu.core_type<sc_vector_subcore>, window_params = [{transform_indices = #map}, {transform_indices = #map1}, {transform_indices = #map1}, {transform_indices = #map}, {transform_indices = #map1}]} {
    %mul3A = arith.constant 16 : i32
    %mul3A_0 = arith.muli %arg0, %mul3A : i32
    %add3A = arith.addi %mul3A_0, %arg1 : i32
    %mul3A_1 = arith.constant 632 : i32
    %mul3A_2 = arith.muli %arg1, %mul3A_1 : i32
    "tpu.region"() ({
      %run_scoped3A = tpu.sem_alloc : memref<!tpu.dma_semaphore, #tpu.memory_space<semaphore_mem>>
      %dma_start3A = arith.constant 0 : i32
      %dma_start3A_9 = tpu.memref_slice %arg7[%mul3A_2, %dma_start3A] : memref<10112x128xf32, #tpu.memory_space<vmem_shared>> -> memref<632x128xf32, #tpu.memory_space<vmem_shared>>
      %dma_start3A_10 = arith.constant 0 : i32
      %dma_start3A_11 = tpu.memref_slice %arg5[%mul3A_2, %dma_start3A_10] : memref<10112x128xf32, #tpu.memory_space<hbm>> -> memref<632x128xf32, #tpu.memory_space<hbm>>
      tpu.enqueue_dma source(%dma_start3A_11 : memref<632x128xf32, #tpu.memory_space<hbm>>) target(%dma_start3A_9 : memref<632x128xf32, #tpu.memory_space<vmem_shared>>) target_semaphore(%run_scoped3A : memref<!tpu.dma_semaphore, #tpu.memory_space<semaphore_mem>>)
      %dma_wait3A = arith.constant 0 : i32
      %dma_wait3A_12 = tpu.memref_slice %arg7[%mul3A_2, %dma_wait3A] : memref<10112x128xf32, #tpu.memory_space<vmem_shared>> -> memref<632x128xf32, #tpu.memory_space<vmem_shared>>
      %dma_wait3A_13 = arith.constant 0 : i32
      %dma_wait3A_14 = tpu.memref_slice %arg5[%mul3A_2, %dma_wait3A_13] : memref<10112x128xf32, #tpu.memory_space<hbm>> -> memref<632x128xf32, #tpu.memory_space<hbm>>
      tpu.wait_dma2 semaphore(%run_scoped3A : memref<!tpu.dma_semaphore, #tpu.memory_space<semaphore_mem>>) src(%dma_wait3A_14 : memref<632x128xf32, #tpu.memory_space<hbm>>) dst(%dma_wait3A_12 : memref<632x128xf32, #tpu.memory_space<vmem_shared>>)
      tpu.yield
    }) : () -> ()
    "tpu.region"() ({
      %run_scoped3A = tpu.sem_alloc : memref<!tpu.dma_semaphore, #tpu.memory_space<semaphore_mem>>
      %dma_start3A = arith.constant 0 : i32
      %dma_start3A_9 = arith.constant 0 : i32
      %dma_start3A_10 = tpu.memref_slice %arg3[%add3A, %dma_start3A, %dma_start3A_9] : memref<32x79x128xi32, #tpu.memory_space<hbm>> -> memref<1x79x128xi32, #tpu.memory_space<hbm>>
      %dma_start3A_11 = tpu.memref_squeeze %dma_start3A_10 : memref<1x79x128xi32, #tpu.memory_space<hbm>> -> memref<79x128xi32, #tpu.memory_space<hbm>>
      %dma_start3A_12 = arith.constant 0 : i32
      %dma_start3A_13 = arith.constant 0 : i32
      %dma_start3A_14 = tpu.memref_slice %arg3[%add3A, %dma_start3A_12, %dma_start3A_13] : memref<32x79x128xi32, #tpu.memory_space<hbm>> -> memref<1x79x128xi32, #tpu.memory_space<hbm>>
      %dma_start3A_15 = tpu.memref_squeeze %dma_start3A_14 : memref<1x79x128xi32, #tpu.memory_space<hbm>> -> memref<79x128xi32, #tpu.memory_space<hbm>>
      tpu.enqueue_dma source(%dma_start3A_15 : memref<79x128xi32, #tpu.memory_space<hbm>>) target(%arg8 : memref<79x128xi32, #tpu.memory_space<vmem>>) target_semaphore(%run_scoped3A : memref<!tpu.dma_semaphore, #tpu.memory_space<semaphore_mem>>)
      %dma_wait3A = arith.constant 0 : i32
      %dma_wait3A_16 = arith.constant 0 : i32
      %dma_wait3A_17 = tpu.memref_slice %arg3[%add3A, %dma_wait3A, %dma_wait3A_16] : memref<32x79x128xi32, #tpu.memory_space<hbm>> -> memref<1x79x128xi32, #tpu.memory_space<hbm>>
      %dma_wait3A_18 = tpu.memref_squeeze %dma_wait3A_17 : memref<1x79x128xi32, #tpu.memory_space<hbm>> -> memref<79x128xi32, #tpu.memory_space<hbm>>
      %dma_wait3A_19 = arith.constant 0 : i32
      %dma_wait3A_20 = arith.constant 0 : i32
      %dma_wait3A_21 = tpu.memref_slice %arg3[%add3A, %dma_wait3A_19, %dma_wait3A_20] : memref<32x79x128xi32, #tpu.memory_space<hbm>> -> memref<1x79x128xi32, #tpu.memory_space<hbm>>
      %dma_wait3A_22 = tpu.memref_squeeze %dma_wait3A_21 : memref<1x79x128xi32, #tpu.memory_space<hbm>> -> memref<79x128xi32, #tpu.memory_space<hbm>>
      tpu.wait_dma2 semaphore(%run_scoped3A : memref<!tpu.dma_semaphore, #tpu.memory_space<semaphore_mem>>) src(%dma_wait3A_22 : memref<79x128xi32, #tpu.memory_space<hbm>>) dst(%arg8 : memref<79x128xi32, #tpu.memory_space<vmem>>)
      tpu.yield
    }) : () -> ()
    "tpu.region"() ({
      %run_scoped3A = tpu.sem_alloc : memref<!tpu.dma_semaphore, #tpu.memory_space<semaphore_mem>>
      %dma_start3A = arith.constant 0 : i32
      %dma_start3A_9 = arith.constant 0 : i32
      %dma_start3A_10 = tpu.memref_slice %arg4[%add3A, %dma_start3A, %dma_start3A_9] : memref<32x79x128xi32, #tpu.memory_space<hbm>> -> memref<1x79x128xi32, #tpu.memory_space<hbm>>
      %dma_start3A_11 = tpu.memref_squeeze %dma_start3A_10 : memref<1x79x128xi32, #tpu.memory_space<hbm>> -> memref<79x128xi32, #tpu.memory_space<hbm>>
      %dma_start3A_12 = arith.constant 0 : i32
      %dma_start3A_13 = arith.constant 0 : i32
      %dma_start3A_14 = tpu.memref_slice %arg4[%add3A, %dma_start3A_12, %dma_start3A_13] : memref<32x79x128xi32, #tpu.memory_space<hbm>> -> memref<1x79x128xi32, #tpu.memory_space<hbm>>
      %dma_start3A_15 = tpu.memref_squeeze %dma_start3A_14 : memref<1x79x128xi32, #tpu.memory_space<hbm>> -> memref<79x128xi32, #tpu.memory_space<hbm>>
      tpu.enqueue_dma source(%dma_start3A_15 : memref<79x128xi32, #tpu.memory_space<hbm>>) target(%arg9 : memref<79x128xi32, #tpu.memory_space<vmem>>) target_semaphore(%run_scoped3A : memref<!tpu.dma_semaphore, #tpu.memory_space<semaphore_mem>>)
      %dma_wait3A = arith.constant 0 : i32
      %dma_wait3A_16 = arith.constant 0 : i32
      %dma_wait3A_17 = tpu.memref_slice %arg4[%add3A, %dma_wait3A, %dma_wait3A_16] : memref<32x79x128xi32, #tpu.memory_space<hbm>> -> memref<1x79x128xi32, #tpu.memory_space<hbm>>
      %dma_wait3A_18 = tpu.memref_squeeze %dma_wait3A_17 : memref<1x79x128xi32, #tpu.memory_space<hbm>> -> memref<79x128xi32, #tpu.memory_space<hbm>>
      %dma_wait3A_19 = arith.constant 0 : i32
      %dma_wait3A_20 = arith.constant 0 : i32
      %dma_wait3A_21 = tpu.memref_slice %arg4[%add3A, %dma_wait3A_19, %dma_wait3A_20] : memref<32x79x128xi32, #tpu.memory_space<hbm>> -> memref<1x79x128xi32, #tpu.memory_space<hbm>>
      %dma_wait3A_22 = tpu.memref_squeeze %dma_wait3A_21 : memref<1x79x128xi32, #tpu.memory_space<hbm>> -> memref<79x128xi32, #tpu.memory_space<hbm>>
      tpu.wait_dma2 semaphore(%run_scoped3A : memref<!tpu.dma_semaphore, #tpu.memory_space<semaphore_mem>>) src(%dma_wait3A_22 : memref<79x128xi32, #tpu.memory_space<hbm>>) dst(%arg9 : memref<79x128xi32, #tpu.memory_space<vmem>>)
      tpu.yield
    }) : () -> ()
    %barrier3A = arith.constant 0 : index
    tpu.barrier barrier_id(%barrier3A)
    %scan3A = arith.constant 0 : i32
    %scan3A_3 = arith.constant 0 : i32
    %scan3A_4 = arith.constant 79 : i32
    %scan3A_5 = arith.addi %scan3A_3, %scan3A_4 : i32
    %scan3A_6 = arith.constant 1 : i32
    scf.for %scan3A_9 = %scan3A_3 to %scan3A_5 step %scan3A_6  : i32 {
      %dma_start3A = arith.constant 0 : i32
      %dma_start3A_10 = tpu.memref_slice %arg8[%scan3A_9, %dma_start3A] : memref<79x128xi32, #tpu.memory_space<vmem>> -> memref<1x128xi32, #tpu.memory_space<vmem>>
      %dma_start3A_11 = tpu.memref_squeeze %dma_start3A_10 : memref<1x128xi32, #tpu.memory_space<vmem>> -> memref<128xi32, #tpu.memory_space<vmem>>
      %dma_start3A_12 = arith.constant 0 : i32
      %dma_start3A_13 = arith.constant 0 : i32
      %dma_start3A_14 = tpu.memref_slice %arg2[%dma_start3A_12, %dma_start3A_13] : memref<10112x128xf32, #tpu.memory_space<hbm>> -> memref<10112x128xf32, #tpu.memory_space<hbm>>
      tpu.enqueue_indirect_dma source(%dma_start3A_14 : memref<10112x128xf32, #tpu.memory_space<hbm>>) target(%arg10 : memref<128x128xf32, #tpu.memory_space<vmem>>) offsets(%dma_start3A_11 : memref<128xi32, #tpu.memory_space<vmem>>) semaphore(%arg11 : memref<!tpu.dma_semaphore, #tpu.memory_space<semaphore_mem>>)
      %dma_wait3A = arith.constant 0 : i32
      %dma_wait3A_15 = tpu.memref_slice %arg8[%scan3A_9, %dma_wait3A] : memref<79x128xi32, #tpu.memory_space<vmem>> -> memref<1x128xi32, #tpu.memory_space<vmem>>
      %dma_wait3A_16 = tpu.memref_squeeze %dma_wait3A_15 : memref<1x128xi32, #tpu.memory_space<vmem>> -> memref<128xi32, #tpu.memory_space<vmem>>
      %dma_wait3A_17 = arith.constant 0 : i32
      %dma_wait3A_18 = arith.constant 0 : i32
      %dma_wait3A_19 = tpu.memref_slice %arg2[%dma_wait3A_17, %dma_wait3A_18] : memref<10112x128xf32, #tpu.memory_space<hbm>> -> memref<10112x128xf32, #tpu.memory_space<hbm>>
      tpu.wait_indirect_dma semaphore(%arg11 : memref<!tpu.dma_semaphore, #tpu.memory_space<semaphore_mem>>) src(%dma_wait3A_19 : memref<10112x128xf32, #tpu.memory_space<hbm>>) dst(%arg10 : memref<128x128xf32, #tpu.memory_space<vmem>>)
      "tpu.region"() ({
        %run_scoped3A = tpu.sem_alloc : memref<!tpu.dma_semaphore, #tpu.memory_space<semaphore_mem>>
        %dma_start3A_20 = arith.constant 0 : i32
        %dma_start3A_21 = tpu.memref_slice %arg9[%scan3A_9, %dma_start3A_20] : memref<79x128xi32, #tpu.memory_space<vmem>> -> memref<1x128xi32, #tpu.memory_space<vmem>>
        %dma_start3A_22 = tpu.memref_squeeze %dma_start3A_21 : memref<1x128xi32, #tpu.memory_space<vmem>> -> memref<128xi32, #tpu.memory_space<vmem>>
        %dma_start3A_23 = arith.constant 0 : i32
        %dma_start3A_24 = arith.constant 0 : i32
        %dma_start3A_25 = tpu.memref_slice %arg7[%dma_start3A_23, %dma_start3A_24] : memref<10112x128xf32, #tpu.memory_space<vmem_shared>> -> memref<10112x128xf32, #tpu.memory_space<vmem_shared>>
        tpu.enqueue_indirect_dma source(%arg10 : memref<128x128xf32, #tpu.memory_space<vmem>>) target(%dma_start3A_25 : memref<10112x128xf32, #tpu.memory_space<vmem_shared>>) offsets(%dma_start3A_22 : memref<128xi32, #tpu.memory_space<vmem>>) semaphore(%run_scoped3A : memref<!tpu.dma_semaphore, #tpu.memory_space<semaphore_mem>>) {add = true}
        %dma_wait3A_26 = arith.constant 0 : i32
        %dma_wait3A_27 = tpu.memref_slice %arg9[%scan3A_9, %dma_wait3A_26] : memref<79x128xi32, #tpu.memory_space<vmem>> -> memref<1x128xi32, #tpu.memory_space<vmem>>
        %dma_wait3A_28 = tpu.memref_squeeze %dma_wait3A_27 : memref<1x128xi32, #tpu.memory_space<vmem>> -> memref<128xi32, #tpu.memory_space<vmem>>
        %dma_wait3A_29 = arith.constant 0 : i32
        %dma_wait3A_30 = arith.constant 0 : i32
        %dma_wait3A_31 = tpu.memref_slice %arg7[%dma_wait3A_29, %dma_wait3A_30] : memref<10112x128xf32, #tpu.memory_space<vmem_shared>> -> memref<10112x128xf32, #tpu.memory_space<vmem_shared>>
        tpu.wait_indirect_dma semaphore(%run_scoped3A : memref<!tpu.dma_semaphore, #tpu.memory_space<semaphore_mem>>) src(%arg10 : memref<128x128xf32, #tpu.memory_space<vmem>>) dst(%dma_wait3A_31 : memref<10112x128xf32, #tpu.memory_space<vmem_shared>>)
        tpu.yield
      }) : () -> ()
    }
    %scan3A_7 = arith.constant 79 : i32
    %barrier3A_8 = arith.constant 0 : index
    tpu.barrier barrier_id(%barrier3A_8)
    "tpu.region"() ({
      %run_scoped3A = tpu.sem_alloc : memref<!tpu.dma_semaphore, #tpu.memory_space<semaphore_mem>>
      %dma_start3A = arith.constant 0 : i32
      %dma_start3A_9 = tpu.memref_slice %arg6[%arg0, %mul3A_2, %dma_start3A] : memref<2x10112x128xf32, #tpu.memory_space<hbm>> -> memref<1x632x128xf32, #tpu.memory_space<hbm>>
      %dma_start3A_10 = tpu.memref_squeeze %dma_start3A_9 : memref<1x632x128xf32, #tpu.memory_space<hbm>> -> memref<632x128xf32, #tpu.memory_space<hbm>>
      %dma_start3A_11 = arith.constant 0 : i32
      %dma_start3A_12 = tpu.memref_slice %arg7[%mul3A_2, %dma_start3A_11] : memref<10112x128xf32, #tpu.memory_space<vmem_shared>> -> memref<632x128xf32, #tpu.memory_space<vmem_shared>>
      tpu.enqueue_dma source(%dma_start3A_12 : memref<632x128xf32, #tpu.memory_space<vmem_shared>>) target(%dma_start3A_10 : memref<632x128xf32, #tpu.memory_space<hbm>>) target_semaphore(%run_scoped3A : memref<!tpu.dma_semaphore, #tpu.memory_space<semaphore_mem>>)
      %dma_wait3A = arith.constant 0 : i32
      %dma_wait3A_13 = tpu.memref_slice %arg6[%arg0, %mul3A_2, %dma_wait3A] : memref<2x10112x128xf32, #tpu.memory_space<hbm>> -> memref<1x632x128xf32, #tpu.memory_space<hbm>>
      %dma_wait3A_14 = tpu.memref_squeeze %dma_wait3A_13 : memref<1x632x128xf32, #tpu.memory_space<hbm>> -> memref<632x128xf32, #tpu.memory_space<hbm>>
      %dma_wait3A_15 = arith.constant 0 : i32
      %dma_wait3A_16 = tpu.memref_slice %arg7[%mul3A_2, %dma_wait3A_15] : memref<10112x128xf32, #tpu.memory_space<vmem_shared>> -> memref<632x128xf32, #tpu.memory_space<vmem_shared>>
      tpu.wait_dma2 semaphore(%run_scoped3A : memref<!tpu.dma_semaphore, #tpu.memory_space<semaphore_mem>>) src(%dma_wait3A_16 : memref<632x128xf32, #tpu.memory_space<vmem_shared>>) dst(%dma_wait3A_14 : memref<632x128xf32, #tpu.memory_space<hbm>>)
      tpu.yield
    }) : () -> ()
    return
  }
}

#map = affine_map<(d0, d1) -> (0, 0)>
#map1 = affine_map<(d0, d1) -> (0, 0, 0)>
module attributes {stable_mosaic.version = 14 : i64} {
  func.func @mp_kernel(%arg0: i32, %arg1: i32, %arg2: memref<10112x128xf32, #tpu.memory_space<hbm>>, %arg3: memref<32x79x128xi32, #tpu.memory_space<hbm>>, %arg4: memref<32x79x128xi32, #tpu.memory_space<hbm>>, %arg5: memref<10112x128xf32, #tpu.memory_space<hbm>>, %arg6: memref<2x10112x128xf32, #tpu.memory_space<hbm>>, %arg7: memref<10112x128xf32, #tpu.memory_space<vmem_shared>>, %arg8: memref<79x128xi32, #tpu.memory_space<vmem>>, %arg9: memref<79x128xi32, #tpu.memory_space<vmem>>, %arg10: memref<128x128xf32, #tpu.memory_space<vmem>>, %arg11: memref<!tpu.dma_semaphore, #tpu.memory_space<semaphore_mem>>) attributes {dimension_semantics = [#tpu.dimension_semantics<core_parallel>, #tpu.dimension_semantics<subcore_parallel>], iteration_bounds = array<i64: 2, 16>, scalar_prefetch = 0 : i64, scratch_operands = 5 : i64, tpu.core_type = #tpu.core_type<sc_vector_subcore>, window_params = [{transform_indices = #map}, {transform_indices = #map1}, {transform_indices = #map1}, {transform_indices = #map}, {transform_indices = #map1}]} {
    %mul3A = arith.constant 16 : i32
    %mul3A_0 = arith.muli %arg0, %mul3A : i32
    %add3A = arith.addi %mul3A_0, %arg1 : i32
    %mul3A_1 = arith.constant 632 : i32
    %mul3A_2 = arith.muli %arg1, %mul3A_1 : i32
    "tpu.region"() ({
      %run_scoped3A = tpu.sem_alloc : memref<!tpu.dma_semaphore, #tpu.memory_space<semaphore_mem>>
      %dma_start3A = arith.constant 0 : i32
      %dma_start3A_9 = tpu.memref_slice %arg7[%mul3A_2, %dma_start3A] : memref<10112x128xf32, #tpu.memory_space<vmem_shared>> -> memref<632x128xf32, #tpu.memory_space<vmem_shared>>
      %dma_start3A_10 = arith.constant 0 : i32
      %dma_start3A_11 = tpu.memref_slice %arg5[%mul3A_2, %dma_start3A_10] : memref<10112x128xf32, #tpu.memory_space<hbm>> -> memref<632x128xf32, #tpu.memory_space<hbm>>
      tpu.enqueue_dma source(%dma_start3A_11 : memref<632x128xf32, #tpu.memory_space<hbm>>) target(%dma_start3A_9 : memref<632x128xf32, #tpu.memory_space<vmem_shared>>) target_semaphore(%run_scoped3A : memref<!tpu.dma_semaphore, #tpu.memory_space<semaphore_mem>>)
      %dma_wait3A = arith.constant 0 : i32
      %dma_wait3A_12 = tpu.memref_slice %arg7[%mul3A_2, %dma_wait3A] : memref<10112x128xf32, #tpu.memory_space<vmem_shared>> -> memref<632x128xf32, #tpu.memory_space<vmem_shared>>
      %dma_wait3A_13 = arith.constant 0 : i32
      %dma_wait3A_14 = tpu.memref_slice %arg5[%mul3A_2, %dma_wait3A_13] : memref<10112x128xf32, #tpu.memory_space<hbm>> -> memref<632x128xf32, #tpu.memory_space<hbm>>
      tpu.wait_dma2 semaphore(%run_scoped3A : memref<!tpu.dma_semaphore, #tpu.memory_space<semaphore_mem>>) src(%dma_wait3A_14 : memref<632x128xf32, #tpu.memory_space<hbm>>) dst(%dma_wait3A_12 : memref<632x128xf32, #tpu.memory_space<vmem_shared>>)
      tpu.yield
    }) : () -> ()
    "tpu.region"() ({
      %run_scoped3A = tpu.sem_alloc : memref<!tpu.dma_semaphore, #tpu.memory_space<semaphore_mem>>
      %dma_start3A = arith.constant 0 : i32
      %dma_start3A_9 = arith.constant 0 : i32
      %dma_start3A_10 = tpu.memref_slice %arg3[%add3A, %dma_start3A, %dma_start3A_9] : memref<32x79x128xi32, #tpu.memory_space<hbm>> -> memref<1x79x128xi32, #tpu.memory_space<hbm>>
      %dma_start3A_11 = tpu.memref_squeeze %dma_start3A_10 : memref<1x79x128xi32, #tpu.memory_space<hbm>> -> memref<79x128xi32, #tpu.memory_space<hbm>>
      %dma_start3A_12 = arith.constant 0 : i32
      %dma_start3A_13 = arith.constant 0 : i32
      %dma_start3A_14 = tpu.memref_slice %arg3[%add3A, %dma_start3A_12, %dma_start3A_13] : memref<32x79x128xi32, #tpu.memory_space<hbm>> -> memref<1x79x128xi32, #tpu.memory_space<hbm>>
      %dma_start3A_15 = tpu.memref_squeeze %dma_start3A_14 : memref<1x79x128xi32, #tpu.memory_space<hbm>> -> memref<79x128xi32, #tpu.memory_space<hbm>>
      tpu.enqueue_dma source(%dma_start3A_15 : memref<79x128xi32, #tpu.memory_space<hbm>>) target(%arg8 : memref<79x128xi32, #tpu.memory_space<vmem>>) target_semaphore(%run_scoped3A : memref<!tpu.dma_semaphore, #tpu.memory_space<semaphore_mem>>)
      %dma_wait3A = arith.constant 0 : i32
      %dma_wait3A_16 = arith.constant 0 : i32
      %dma_wait3A_17 = tpu.memref_slice %arg3[%add3A, %dma_wait3A, %dma_wait3A_16] : memref<32x79x128xi32, #tpu.memory_space<hbm>> -> memref<1x79x128xi32, #tpu.memory_space<hbm>>
      %dma_wait3A_18 = tpu.memref_squeeze %dma_wait3A_17 : memref<1x79x128xi32, #tpu.memory_space<hbm>> -> memref<79x128xi32, #tpu.memory_space<hbm>>
      %dma_wait3A_19 = arith.constant 0 : i32
      %dma_wait3A_20 = arith.constant 0 : i32
      %dma_wait3A_21 = tpu.memref_slice %arg3[%add3A, %dma_wait3A_19, %dma_wait3A_20] : memref<32x79x128xi32, #tpu.memory_space<hbm>> -> memref<1x79x128xi32, #tpu.memory_space<hbm>>
      %dma_wait3A_22 = tpu.memref_squeeze %dma_wait3A_21 : memref<1x79x128xi32, #tpu.memory_space<hbm>> -> memref<79x128xi32, #tpu.memory_space<hbm>>
      tpu.wait_dma2 semaphore(%run_scoped3A : memref<!tpu.dma_semaphore, #tpu.memory_space<semaphore_mem>>) src(%dma_wait3A_22 : memref<79x128xi32, #tpu.memory_space<hbm>>) dst(%arg8 : memref<79x128xi32, #tpu.memory_space<vmem>>)
      tpu.yield
    }) : () -> ()
    "tpu.region"() ({
      %run_scoped3A = tpu.sem_alloc : memref<!tpu.dma_semaphore, #tpu.memory_space<semaphore_mem>>
      %dma_start3A = arith.constant 0 : i32
      %dma_start3A_9 = arith.constant 0 : i32
      %dma_start3A_10 = tpu.memref_slice %arg4[%add3A, %dma_start3A, %dma_start3A_9] : memref<32x79x128xi32, #tpu.memory_space<hbm>> -> memref<1x79x128xi32, #tpu.memory_space<hbm>>
      %dma_start3A_11 = tpu.memref_squeeze %dma_start3A_10 : memref<1x79x128xi32, #tpu.memory_space<hbm>> -> memref<79x128xi32, #tpu.memory_space<hbm>>
      %dma_start3A_12 = arith.constant 0 : i32
      %dma_start3A_13 = arith.constant 0 : i32
      %dma_start3A_14 = tpu.memref_slice %arg4[%add3A, %dma_start3A_12, %dma_start3A_13] : memref<32x79x128xi32, #tpu.memory_space<hbm>> -> memref<1x79x128xi32, #tpu.memory_space<hbm>>
      %dma_start3A_15 = tpu.memref_squeeze %dma_start3A_14 : memref<1x79x128xi32, #tpu.memory_space<hbm>> -> memref<79x128xi32, #tpu.memory_space<hbm>>
      tpu.enqueue_dma source(%dma_start3A_15 : memref<79x128xi32, #tpu.memory_space<hbm>>) target(%arg9 : memref<79x128xi32, #tpu.memory_space<vmem>>) target_semaphore(%run_scoped3A : memref<!tpu.dma_semaphore, #tpu.memory_space<semaphore_mem>>)
      %dma_wait3A = arith.constant 0 : i32
      %dma_wait3A_16 = arith.constant 0 : i32
      %dma_wait3A_17 = tpu.memref_slice %arg4[%add3A, %dma_wait3A, %dma_wait3A_16] : memref<32x79x128xi32, #tpu.memory_space<hbm>> -> memref<1x79x128xi32, #tpu.memory_space<hbm>>
      %dma_wait3A_18 = tpu.memref_squeeze %dma_wait3A_17 : memref<1x79x128xi32, #tpu.memory_space<hbm>> -> memref<79x128xi32, #tpu.memory_space<hbm>>
      %dma_wait3A_19 = arith.constant 0 : i32
      %dma_wait3A_20 = arith.constant 0 : i32
      %dma_wait3A_21 = tpu.memref_slice %arg4[%add3A, %dma_wait3A_19, %dma_wait3A_20] : memref<32x79x128xi32, #tpu.memory_space<hbm>> -> memref<1x79x128xi32, #tpu.memory_space<hbm>>
      %dma_wait3A_22 = tpu.memref_squeeze %dma_wait3A_21 : memref<1x79x128xi32, #tpu.memory_space<hbm>> -> memref<79x128xi32, #tpu.memory_space<hbm>>
      tpu.wait_dma2 semaphore(%run_scoped3A : memref<!tpu.dma_semaphore, #tpu.memory_space<semaphore_mem>>) src(%dma_wait3A_22 : memref<79x128xi32, #tpu.memory_space<hbm>>) dst(%arg9 : memref<79x128xi32, #tpu.memory_space<vmem>>)
      tpu.yield
    }) : () -> ()
    %barrier3A = arith.constant 0 : index
    tpu.barrier barrier_id(%barrier3A)
    %scan3A = arith.constant 0 : i32
    %scan3A_3 = arith.constant 0 : i32
    %scan3A_4 = arith.constant 79 : i32
    %scan3A_5 = arith.addi %scan3A_3, %scan3A_4 : i32
    %scan3A_6 = arith.constant 1 : i32
    scf.for %scan3A_9 = %scan3A_3 to %scan3A_5 step %scan3A_6  : i32 {
      %dma_start3A = arith.constant 0 : i32
      %dma_start3A_10 = tpu.memref_slice %arg8[%scan3A_9, %dma_start3A] : memref<79x128xi32, #tpu.memory_space<vmem>> -> memref<1x128xi32, #tpu.memory_space<vmem>>
      %dma_start3A_11 = tpu.memref_squeeze %dma_start3A_10 : memref<1x128xi32, #tpu.memory_space<vmem>> -> memref<128xi32, #tpu.memory_space<vmem>>
      %dma_start3A_12 = arith.constant 0 : i32
      %dma_start3A_13 = arith.constant 0 : i32
      %dma_start3A_14 = tpu.memref_slice %arg2[%dma_start3A_12, %dma_start3A_13] : memref<10112x128xf32, #tpu.memory_space<hbm>> -> memref<10112x128xf32, #tpu.memory_space<hbm>>
      tpu.enqueue_indirect_dma source(%dma_start3A_14 : memref<10112x128xf32, #tpu.memory_space<hbm>>) target(%arg10 : memref<128x128xf32, #tpu.memory_space<vmem>>) offsets(%dma_start3A_11 : memref<128xi32, #tpu.memory_space<vmem>>) semaphore(%arg11 : memref<!tpu.dma_semaphore, #tpu.memory_space<semaphore_mem>>)
      %dma_wait3A = arith.constant 0 : i32
      %dma_wait3A_15 = tpu.memref_slice %arg8[%scan3A_9, %dma_wait3A] : memref<79x128xi32, #tpu.memory_space<vmem>> -> memref<1x128xi32, #tpu.memory_space<vmem>>
      %dma_wait3A_16 = tpu.memref_squeeze %dma_wait3A_15 : memref<1x128xi32, #tpu.memory_space<vmem>> -> memref<128xi32, #tpu.memory_space<vmem>>
      %dma_wait3A_17 = arith.constant 0 : i32
      %dma_wait3A_18 = arith.constant 0 : i32
      %dma_wait3A_19 = tpu.memref_slice %arg2[%dma_wait3A_17, %dma_wait3A_18] : memref<10112x128xf32, #tpu.memory_space<hbm>> -> memref<10112x128xf32, #tpu.memory_space<hbm>>
      tpu.wait_indirect_dma semaphore(%arg11 : memref<!tpu.dma_semaphore, #tpu.memory_space<semaphore_mem>>) src(%dma_wait3A_19 : memref<10112x128xf32, #tpu.memory_space<hbm>>) dst(%arg10 : memref<128x128xf32, #tpu.memory_space<vmem>>)
      "tpu.region"() ({
        %run_scoped3A = tpu.sem_alloc : memref<!tpu.dma_semaphore, #tpu.memory_space<semaphore_mem>>
        %dma_start3A_20 = arith.constant 0 : i32
        %dma_start3A_21 = tpu.memref_slice %arg9[%scan3A_9, %dma_start3A_20] : memref<79x128xi32, #tpu.memory_space<vmem>> -> memref<1x128xi32, #tpu.memory_space<vmem>>
        %dma_start3A_22 = tpu.memref_squeeze %dma_start3A_21 : memref<1x128xi32, #tpu.memory_space<vmem>> -> memref<128xi32, #tpu.memory_space<vmem>>
        %dma_start3A_23 = arith.constant 0 : i32
        %dma_start3A_24 = arith.constant 0 : i32
        %dma_start3A_25 = tpu.memref_slice %arg7[%dma_start3A_23, %dma_start3A_24] : memref<10112x128xf32, #tpu.memory_space<vmem_shared>> -> memref<10112x128xf32, #tpu.memory_space<vmem_shared>>
        tpu.enqueue_indirect_dma source(%arg10 : memref<128x128xf32, #tpu.memory_space<vmem>>) target(%dma_start3A_25 : memref<10112x128xf32, #tpu.memory_space<vmem_shared>>) offsets(%dma_start3A_22 : memref<128xi32, #tpu.memory_space<vmem>>) semaphore(%run_scoped3A : memref<!tpu.dma_semaphore, #tpu.memory_space<semaphore_mem>>) {add = true}
        %dma_wait3A_26 = arith.constant 0 : i32
        %dma_wait3A_27 = tpu.memref_slice %arg9[%scan3A_9, %dma_wait3A_26] : memref<79x128xi32, #tpu.memory_space<vmem>> -> memref<1x128xi32, #tpu.memory_space<vmem>>
        %dma_wait3A_28 = tpu.memref_squeeze %dma_wait3A_27 : memref<1x128xi32, #tpu.memory_space<vmem>> -> memref<128xi32, #tpu.memory_space<vmem>>
        %dma_wait3A_29 = arith.constant 0 : i32
        %dma_wait3A_30 = arith.constant 0 : i32
        %dma_wait3A_31 = tpu.memref_slice %arg7[%dma_wait3A_29, %dma_wait3A_30] : memref<10112x128xf32, #tpu.memory_space<vmem_shared>> -> memref<10112x128xf32, #tpu.memory_space<vmem_shared>>
        tpu.wait_indirect_dma semaphore(%run_scoped3A : memref<!tpu.dma_semaphore, #tpu.memory_space<semaphore_mem>>) src(%arg10 : memref<128x128xf32, #tpu.memory_space<vmem>>) dst(%dma_wait3A_31 : memref<10112x128xf32, #tpu.memory_space<vmem_shared>>)
        tpu.yield
      }) : () -> ()
    }
    %scan3A_7 = arith.constant 79 : i32
    %barrier3A_8 = arith.constant 0 : index
    tpu.barrier barrier_id(%barrier3A_8)
    "tpu.region"() ({
      %run_scoped3A = tpu.sem_alloc : memref<!tpu.dma_semaphore, #tpu.memory_space<semaphore_mem>>
      %dma_start3A = arith.constant 0 : i32
      %dma_start3A_9 = tpu.memref_slice %arg6[%arg0, %mul3A_2, %dma_start3A] : memref<2x10112x128xf32, #tpu.memory_space<hbm>> -> memref<1x632x128xf32, #tpu.memory_space<hbm>>
      %dma_start3A_10 = tpu.memref_squeeze %dma_start3A_9 : memref<1x632x128xf32, #tpu.memory_space<hbm>> -> memref<632x128xf32, #tpu.memory_space<hbm>>
      %dma_start3A_11 = arith.constant 0 : i32
      %dma_start3A_12 = tpu.memref_slice %arg7[%mul3A_2, %dma_start3A_11] : memref<10112x128xf32, #tpu.memory_space<vmem_shared>> -> memref<632x128xf32, #tpu.memory_space<vmem_shared>>
      tpu.enqueue_dma source(%dma_start3A_12 : memref<632x128xf32, #tpu.memory_space<vmem_shared>>) target(%dma_start3A_10 : memref<632x128xf32, #tpu.memory_space<hbm>>) target_semaphore(%run_scoped3A : memref<!tpu.dma_semaphore, #tpu.memory_space<semaphore_mem>>)
      %dma_wait3A = arith.constant 0 : i32
      %dma_wait3A_13 = tpu.memref_slice %arg6[%arg0, %mul3A_2, %dma_wait3A] : memref<2x10112x128xf32, #tpu.memory_space<hbm>> -> memref<1x632x128xf32, #tpu.memory_space<hbm>>
      %dma_wait3A_14 = tpu.memref_squeeze %dma_wait3A_13 : memref<1x632x128xf32, #tpu.memory_space<hbm>> -> memref<632x128xf32, #tpu.memory_space<hbm>>
      %dma_wait3A_15 = arith.constant 0 : i32
      %dma_wait3A_16 = tpu.memref_slice %arg7[%mul3A_2, %dma_wait3A_15] : memref<10112x128xf32, #tpu.memory_space<vmem_shared>> -> memref<632x128xf32, #tpu.memory_space<vmem_shared>>
      tpu.wait_dma2 semaphore(%run_scoped3A : memref<!tpu.dma_semaphore, #tpu.memory_space<semaphore_mem>>) src(%dma_wait3A_16 : memref<632x128xf32, #tpu.memory_space<vmem_shared>>) dst(%dma_wait3A_14 : memref<632x128xf32, #tpu.memory_space<hbm>>)
      tpu.yield
    }) : () -> ()
    return
  }
}

#map = affine_map<(d0, d1) -> (0, 0)>
#map1 = affine_map<(d0, d1) -> (0, 0, 0)>
module attributes {stable_mosaic.version = 14 : i64} {
  func.func @mp_kernel(%arg0: i32, %arg1: i32, %arg2: memref<10112x128xf32, #tpu.memory_space<hbm>>, %arg3: memref<32x79x128xi32, #tpu.memory_space<hbm>>, %arg4: memref<32x79x128xi32, #tpu.memory_space<hbm>>, %arg5: memref<10112x128xf32, #tpu.memory_space<hbm>>, %arg6: memref<2x10112x128xf32, #tpu.memory_space<hbm>>, %arg7: memref<10112x128xf32, #tpu.memory_space<vmem_shared>>, %arg8: memref<79x128xi32, #tpu.memory_space<vmem>>, %arg9: memref<79x128xi32, #tpu.memory_space<vmem>>, %arg10: memref<128x128xf32, #tpu.memory_space<vmem>>, %arg11: memref<!tpu.dma_semaphore, #tpu.memory_space<semaphore_mem>>) attributes {dimension_semantics = [#tpu.dimension_semantics<core_parallel>, #tpu.dimension_semantics<subcore_parallel>], iteration_bounds = array<i64: 2, 16>, scalar_prefetch = 0 : i64, scratch_operands = 5 : i64, tpu.core_type = #tpu.core_type<sc_vector_subcore>, window_params = [{transform_indices = #map}, {transform_indices = #map1}, {transform_indices = #map1}, {transform_indices = #map}, {transform_indices = #map1}]} {
    %mul3A = arith.constant 16 : i32
    %mul3A_0 = arith.muli %arg0, %mul3A : i32
    %add3A = arith.addi %mul3A_0, %arg1 : i32
    %mul3A_1 = arith.constant 632 : i32
    %mul3A_2 = arith.muli %arg1, %mul3A_1 : i32
    "tpu.region"() ({
      %run_scoped3A = tpu.sem_alloc : memref<!tpu.dma_semaphore, #tpu.memory_space<semaphore_mem>>
      %dma_start3A = arith.constant 0 : i32
      %dma_start3A_9 = tpu.memref_slice %arg7[%mul3A_2, %dma_start3A] : memref<10112x128xf32, #tpu.memory_space<vmem_shared>> -> memref<632x128xf32, #tpu.memory_space<vmem_shared>>
      %dma_start3A_10 = arith.constant 0 : i32
      %dma_start3A_11 = tpu.memref_slice %arg5[%mul3A_2, %dma_start3A_10] : memref<10112x128xf32, #tpu.memory_space<hbm>> -> memref<632x128xf32, #tpu.memory_space<hbm>>
      tpu.enqueue_dma source(%dma_start3A_11 : memref<632x128xf32, #tpu.memory_space<hbm>>) target(%dma_start3A_9 : memref<632x128xf32, #tpu.memory_space<vmem_shared>>) target_semaphore(%run_scoped3A : memref<!tpu.dma_semaphore, #tpu.memory_space<semaphore_mem>>)
      %dma_wait3A = arith.constant 0 : i32
      %dma_wait3A_12 = tpu.memref_slice %arg7[%mul3A_2, %dma_wait3A] : memref<10112x128xf32, #tpu.memory_space<vmem_shared>> -> memref<632x128xf32, #tpu.memory_space<vmem_shared>>
      %dma_wait3A_13 = arith.constant 0 : i32
      %dma_wait3A_14 = tpu.memref_slice %arg5[%mul3A_2, %dma_wait3A_13] : memref<10112x128xf32, #tpu.memory_space<hbm>> -> memref<632x128xf32, #tpu.memory_space<hbm>>
      tpu.wait_dma2 semaphore(%run_scoped3A : memref<!tpu.dma_semaphore, #tpu.memory_space<semaphore_mem>>) src(%dma_wait3A_14 : memref<632x128xf32, #tpu.memory_space<hbm>>) dst(%dma_wait3A_12 : memref<632x128xf32, #tpu.memory_space<vmem_shared>>)
      tpu.yield
    }) : () -> ()
    "tpu.region"() ({
      %run_scoped3A = tpu.sem_alloc : memref<!tpu.dma_semaphore, #tpu.memory_space<semaphore_mem>>
      %dma_start3A = arith.constant 0 : i32
      %dma_start3A_9 = arith.constant 0 : i32
      %dma_start3A_10 = tpu.memref_slice %arg3[%add3A, %dma_start3A, %dma_start3A_9] : memref<32x79x128xi32, #tpu.memory_space<hbm>> -> memref<1x79x128xi32, #tpu.memory_space<hbm>>
      %dma_start3A_11 = tpu.memref_squeeze %dma_start3A_10 : memref<1x79x128xi32, #tpu.memory_space<hbm>> -> memref<79x128xi32, #tpu.memory_space<hbm>>
      %dma_start3A_12 = arith.constant 0 : i32
      %dma_start3A_13 = arith.constant 0 : i32
      %dma_start3A_14 = tpu.memref_slice %arg3[%add3A, %dma_start3A_12, %dma_start3A_13] : memref<32x79x128xi32, #tpu.memory_space<hbm>> -> memref<1x79x128xi32, #tpu.memory_space<hbm>>
      %dma_start3A_15 = tpu.memref_squeeze %dma_start3A_14 : memref<1x79x128xi32, #tpu.memory_space<hbm>> -> memref<79x128xi32, #tpu.memory_space<hbm>>
      tpu.enqueue_dma source(%dma_start3A_15 : memref<79x128xi32, #tpu.memory_space<hbm>>) target(%arg8 : memref<79x128xi32, #tpu.memory_space<vmem>>) target_semaphore(%run_scoped3A : memref<!tpu.dma_semaphore, #tpu.memory_space<semaphore_mem>>)
      %dma_wait3A = arith.constant 0 : i32
      %dma_wait3A_16 = arith.constant 0 : i32
      %dma_wait3A_17 = tpu.memref_slice %arg3[%add3A, %dma_wait3A, %dma_wait3A_16] : memref<32x79x128xi32, #tpu.memory_space<hbm>> -> memref<1x79x128xi32, #tpu.memory_space<hbm>>
      %dma_wait3A_18 = tpu.memref_squeeze %dma_wait3A_17 : memref<1x79x128xi32, #tpu.memory_space<hbm>> -> memref<79x128xi32, #tpu.memory_space<hbm>>
      %dma_wait3A_19 = arith.constant 0 : i32
      %dma_wait3A_20 = arith.constant 0 : i32
      %dma_wait3A_21 = tpu.memref_slice %arg3[%add3A, %dma_wait3A_19, %dma_wait3A_20] : memref<32x79x128xi32, #tpu.memory_space<hbm>> -> memref<1x79x128xi32, #tpu.memory_space<hbm>>
      %dma_wait3A_22 = tpu.memref_squeeze %dma_wait3A_21 : memref<1x79x128xi32, #tpu.memory_space<hbm>> -> memref<79x128xi32, #tpu.memory_space<hbm>>
      tpu.wait_dma2 semaphore(%run_scoped3A : memref<!tpu.dma_semaphore, #tpu.memory_space<semaphore_mem>>) src(%dma_wait3A_22 : memref<79x128xi32, #tpu.memory_space<hbm>>) dst(%arg8 : memref<79x128xi32, #tpu.memory_space<vmem>>)
      tpu.yield
    }) : () -> ()
    "tpu.region"() ({
      %run_scoped3A = tpu.sem_alloc : memref<!tpu.dma_semaphore, #tpu.memory_space<semaphore_mem>>
      %dma_start3A = arith.constant 0 : i32
      %dma_start3A_9 = arith.constant 0 : i32
      %dma_start3A_10 = tpu.memref_slice %arg4[%add3A, %dma_start3A, %dma_start3A_9] : memref<32x79x128xi32, #tpu.memory_space<hbm>> -> memref<1x79x128xi32, #tpu.memory_space<hbm>>
      %dma_start3A_11 = tpu.memref_squeeze %dma_start3A_10 : memref<1x79x128xi32, #tpu.memory_space<hbm>> -> memref<79x128xi32, #tpu.memory_space<hbm>>
      %dma_start3A_12 = arith.constant 0 : i32
      %dma_start3A_13 = arith.constant 0 : i32
      %dma_start3A_14 = tpu.memref_slice %arg4[%add3A, %dma_start3A_12, %dma_start3A_13] : memref<32x79x128xi32, #tpu.memory_space<hbm>> -> memref<1x79x128xi32, #tpu.memory_space<hbm>>
      %dma_start3A_15 = tpu.memref_squeeze %dma_start3A_14 : memref<1x79x128xi32, #tpu.memory_space<hbm>> -> memref<79x128xi32, #tpu.memory_space<hbm>>
      tpu.enqueue_dma source(%dma_start3A_15 : memref<79x128xi32, #tpu.memory_space<hbm>>) target(%arg9 : memref<79x128xi32, #tpu.memory_space<vmem>>) target_semaphore(%run_scoped3A : memref<!tpu.dma_semaphore, #tpu.memory_space<semaphore_mem>>)
      %dma_wait3A = arith.constant 0 : i32
      %dma_wait3A_16 = arith.constant 0 : i32
      %dma_wait3A_17 = tpu.memref_slice %arg4[%add3A, %dma_wait3A, %dma_wait3A_16] : memref<32x79x128xi32, #tpu.memory_space<hbm>> -> memref<1x79x128xi32, #tpu.memory_space<hbm>>
      %dma_wait3A_18 = tpu.memref_squeeze %dma_wait3A_17 : memref<1x79x128xi32, #tpu.memory_space<hbm>> -> memref<79x128xi32, #tpu.memory_space<hbm>>
      %dma_wait3A_19 = arith.constant 0 : i32
      %dma_wait3A_20 = arith.constant 0 : i32
      %dma_wait3A_21 = tpu.memref_slice %arg4[%add3A, %dma_wait3A_19, %dma_wait3A_20] : memref<32x79x128xi32, #tpu.memory_space<hbm>> -> memref<1x79x128xi32, #tpu.memory_space<hbm>>
      %dma_wait3A_22 = tpu.memref_squeeze %dma_wait3A_21 : memref<1x79x128xi32, #tpu.memory_space<hbm>> -> memref<79x128xi32, #tpu.memory_space<hbm>>
      tpu.wait_dma2 semaphore(%run_scoped3A : memref<!tpu.dma_semaphore, #tpu.memory_space<semaphore_mem>>) src(%dma_wait3A_22 : memref<79x128xi32, #tpu.memory_space<hbm>>) dst(%arg9 : memref<79x128xi32, #tpu.memory_space<vmem>>)
      tpu.yield
    }) : () -> ()
    %barrier3A = arith.constant 0 : index
    tpu.barrier barrier_id(%barrier3A)
    %scan3A = arith.constant 0 : i32
    %scan3A_3 = arith.constant 0 : i32
    %scan3A_4 = arith.constant 79 : i32
    %scan3A_5 = arith.addi %scan3A_3, %scan3A_4 : i32
    %scan3A_6 = arith.constant 1 : i32
    scf.for %scan3A_9 = %scan3A_3 to %scan3A_5 step %scan3A_6  : i32 {
      %dma_start3A = arith.constant 0 : i32
      %dma_start3A_10 = tpu.memref_slice %arg8[%scan3A_9, %dma_start3A] : memref<79x128xi32, #tpu.memory_space<vmem>> -> memref<1x128xi32, #tpu.memory_space<vmem>>
      %dma_start3A_11 = tpu.memref_squeeze %dma_start3A_10 : memref<1x128xi32, #tpu.memory_space<vmem>> -> memref<128xi32, #tpu.memory_space<vmem>>
      %dma_start3A_12 = arith.constant 0 : i32
      %dma_start3A_13 = arith.constant 0 : i32
      %dma_start3A_14 = tpu.memref_slice %arg2[%dma_start3A_12, %dma_start3A_13] : memref<10112x128xf32, #tpu.memory_space<hbm>> -> memref<10112x128xf32, #tpu.memory_space<hbm>>
      tpu.enqueue_indirect_dma source(%dma_start3A_14 : memref<10112x128xf32, #tpu.memory_space<hbm>>) target(%arg10 : memref<128x128xf32, #tpu.memory_space<vmem>>) offsets(%dma_start3A_11 : memref<128xi32, #tpu.memory_space<vmem>>) semaphore(%arg11 : memref<!tpu.dma_semaphore, #tpu.memory_space<semaphore_mem>>)
      %dma_wait3A = arith.constant 0 : i32
      %dma_wait3A_15 = tpu.memref_slice %arg8[%scan3A_9, %dma_wait3A] : memref<79x128xi32, #tpu.memory_space<vmem>> -> memref<1x128xi32, #tpu.memory_space<vmem>>
      %dma_wait3A_16 = tpu.memref_squeeze %dma_wait3A_15 : memref<1x128xi32, #tpu.memory_space<vmem>> -> memref<128xi32, #tpu.memory_space<vmem>>
      %dma_wait3A_17 = arith.constant 0 : i32
      %dma_wait3A_18 = arith.constant 0 : i32
      %dma_wait3A_19 = tpu.memref_slice %arg2[%dma_wait3A_17, %dma_wait3A_18] : memref<10112x128xf32, #tpu.memory_space<hbm>> -> memref<10112x128xf32, #tpu.memory_space<hbm>>
      tpu.wait_indirect_dma semaphore(%arg11 : memref<!tpu.dma_semaphore, #tpu.memory_space<semaphore_mem>>) src(%dma_wait3A_19 : memref<10112x128xf32, #tpu.memory_space<hbm>>) dst(%arg10 : memref<128x128xf32, #tpu.memory_space<vmem>>)
      "tpu.region"() ({
        %run_scoped3A = tpu.sem_alloc : memref<!tpu.dma_semaphore, #tpu.memory_space<semaphore_mem>>
        %dma_start3A_20 = arith.constant 0 : i32
        %dma_start3A_21 = tpu.memref_slice %arg9[%scan3A_9, %dma_start3A_20] : memref<79x128xi32, #tpu.memory_space<vmem>> -> memref<1x128xi32, #tpu.memory_space<vmem>>
        %dma_start3A_22 = tpu.memref_squeeze %dma_start3A_21 : memref<1x128xi32, #tpu.memory_space<vmem>> -> memref<128xi32, #tpu.memory_space<vmem>>
        %dma_start3A_23 = arith.constant 0 : i32
        %dma_start3A_24 = arith.constant 0 : i32
        %dma_start3A_25 = tpu.memref_slice %arg7[%dma_start3A_23, %dma_start3A_24] : memref<10112x128xf32, #tpu.memory_space<vmem_shared>> -> memref<10112x128xf32, #tpu.memory_space<vmem_shared>>
        tpu.enqueue_indirect_dma source(%arg10 : memref<128x128xf32, #tpu.memory_space<vmem>>) target(%dma_start3A_25 : memref<10112x128xf32, #tpu.memory_space<vmem_shared>>) offsets(%dma_start3A_22 : memref<128xi32, #tpu.memory_space<vmem>>) semaphore(%run_scoped3A : memref<!tpu.dma_semaphore, #tpu.memory_space<semaphore_mem>>) {add = true}
        %dma_wait3A_26 = arith.constant 0 : i32
        %dma_wait3A_27 = tpu.memref_slice %arg9[%scan3A_9, %dma_wait3A_26] : memref<79x128xi32, #tpu.memory_space<vmem>> -> memref<1x128xi32, #tpu.memory_space<vmem>>
        %dma_wait3A_28 = tpu.memref_squeeze %dma_wait3A_27 : memref<1x128xi32, #tpu.memory_space<vmem>> -> memref<128xi32, #tpu.memory_space<vmem>>
        %dma_wait3A_29 = arith.constant 0 : i32
        %dma_wait3A_30 = arith.constant 0 : i32
        %dma_wait3A_31 = tpu.memref_slice %arg7[%dma_wait3A_29, %dma_wait3A_30] : memref<10112x128xf32, #tpu.memory_space<vmem_shared>> -> memref<10112x128xf32, #tpu.memory_space<vmem_shared>>
        tpu.wait_indirect_dma semaphore(%run_scoped3A : memref<!tpu.dma_semaphore, #tpu.memory_space<semaphore_mem>>) src(%arg10 : memref<128x128xf32, #tpu.memory_space<vmem>>) dst(%dma_wait3A_31 : memref<10112x128xf32, #tpu.memory_space<vmem_shared>>)
        tpu.yield
      }) : () -> ()
    }
    %scan3A_7 = arith.constant 79 : i32
    %barrier3A_8 = arith.constant 0 : index
    tpu.barrier barrier_id(%barrier3A_8)
    "tpu.region"() ({
      %run_scoped3A = tpu.sem_alloc : memref<!tpu.dma_semaphore, #tpu.memory_space<semaphore_mem>>
      %dma_start3A = arith.constant 0 : i32
      %dma_start3A_9 = tpu.memref_slice %arg6[%arg0, %mul3A_2, %dma_start3A] : memref<2x10112x128xf32, #tpu.memory_space<hbm>> -> memref<1x632x128xf32, #tpu.memory_space<hbm>>
      %dma_start3A_10 = tpu.memref_squeeze %dma_start3A_9 : memref<1x632x128xf32, #tpu.memory_space<hbm>> -> memref<632x128xf32, #tpu.memory_space<hbm>>
      %dma_start3A_11 = arith.constant 0 : i32
      %dma_start3A_12 = tpu.memref_slice %arg7[%mul3A_2, %dma_start3A_11] : memref<10112x128xf32, #tpu.memory_space<vmem_shared>> -> memref<632x128xf32, #tpu.memory_space<vmem_shared>>
      tpu.enqueue_dma source(%dma_start3A_12 : memref<632x128xf32, #tpu.memory_space<vmem_shared>>) target(%dma_start3A_10 : memref<632x128xf32, #tpu.memory_space<hbm>>) target_semaphore(%run_scoped3A : memref<!tpu.dma_semaphore, #tpu.memory_space<semaphore_mem>>)
      %dma_wait3A = arith.constant 0 : i32
      %dma_wait3A_13 = tpu.memref_slice %arg6[%arg0, %mul3A_2, %dma_wait3A] : memref<2x10112x128xf32, #tpu.memory_space<hbm>> -> memref<1x632x128xf32, #tpu.memory_space<hbm>>
      %dma_wait3A_14 = tpu.memref_squeeze %dma_wait3A_13 : memref<1x632x128xf32, #tpu.memory_space<hbm>> -> memref<632x128xf32, #tpu.memory_space<hbm>>
      %dma_wait3A_15 = arith.constant 0 : i32
      %dma_wait3A_16 = tpu.memref_slice %arg7[%mul3A_2, %dma_wait3A_15] : memref<10112x128xf32, #tpu.memory_space<vmem_shared>> -> memref<632x128xf32, #tpu.memory_space<vmem_shared>>
      tpu.wait_dma2 semaphore(%run_scoped3A : memref<!tpu.dma_semaphore, #tpu.memory_space<semaphore_mem>>) src(%dma_wait3A_16 : memref<632x128xf32, #tpu.memory_space<vmem_shared>>) dst(%dma_wait3A_14 : memref<632x128xf32, #tpu.memory_space<hbm>>)
      tpu.yield
    }) : () -> ()
    return
  }
}

module attributes {stable_mosaic.version = 14 : i64} {
  func.func @_tc_prep_body(%arg0: i32, %arg1: memref<2528x128xf32, #tpu.memory_space<vmem>>, %arg2: memref<2x2528x128xf32, #tpu.memory_space<vmem>>, %arg3: memref<128x128xf32, #tpu.memory_space<vmem>>, %arg4: memref<2528x128xf32, #tpu.memory_space<vmem>>, %arg5: memref<2528x1xf32, #tpu.memory_space<vmem>>) attributes {dimension_semantics = [#tpu.dimension_semantics<arbitrary>], iteration_bounds = array<i64: 4>, scalar_prefetch = 0 : i64, scratch_operands = 0 : i64, tpu.core_type = #tpu.core_type<tc>, window_params = [{transform_indices = @transform_0, window_bounds = array<i64: 2528, 128>}, {transform_indices = @transform_1, window_bounds = array<i64: 2, 2528, 128>}, {pipeline_mode = #tpu.pipeline_mode<synchronous>, transform_indices = @transform_2, window_bounds = array<i64: 128, 128>}, {transform_indices = @transform_3, window_bounds = array<i64: 2528, 128>}, {transform_indices = @transform_4, window_bounds = array<i64: 2528, 1>}]} {
    %get3A = arith.constant 0 : index
    %get3A_0 = arith.constant 0 : index
    %get3A_1 = arith.constant 0 : index
    %get3A_2 = vector.load %arg2[%get3A, %get3A_0, %get3A_1] : memref<2x2528x128xf32, #tpu.memory_space<vmem>>, vector<1x2528x1xf32>
    %get3A_3 = vector.shape_cast %get3A_2 : vector<1x2528x1xf32> to vector<2528x1xf32>
    %get3A_4 = arith.constant 1 : index
    %get3A_5 = arith.constant 0 : index
    %get3A_6 = arith.constant 0 : index
    %get3A_7 = vector.load %arg2[%get3A_4, %get3A_5, %get3A_6] : memref<2x2528x128xf32, #tpu.memory_space<vmem>>, vector<1x2528x1xf32>
    %get3A_8 = vector.shape_cast %get3A_7 : vector<1x2528x1xf32> to vector<2528x1xf32>
    %add3A = arith.addf %get3A_3, %get3A_8 : vector<2528x1xf32>
    %add3A_9 = arith.constant 1.000000e+00 : f32
    %add3A_10 = vector.broadcast %add3A_9 : f32 to vector<2528x1xf32>
    %add3A_11 = arith.addf %add3A, %add3A_10 : vector<2528x1xf32>
    %rsqrt3A = math.rsqrt %add3A_11 : vector<2528x1xf32>
    %get3A_12 = arith.constant 0 : index
    %get3A_13 = arith.constant 0 : index
    %get3A_14 = vector.load %arg1[%get3A_12, %get3A_13] : memref<2528x128xf32, #tpu.memory_space<vmem>>, vector<2528x128xf32>
    %get3A_15 = arith.constant 0 : index
    %get3A_16 = arith.constant 0 : index
    %get3A_17 = vector.load %arg3[%get3A_15, %get3A_16] : memref<128x128xf32, #tpu.memory_space<vmem>>, vector<128x128xf32>
    %dot_general3A = arith.constant dense<0.000000e+00> : vector<2528x128xf32>
    %dot_general3A_18 = tpu.matmul %get3A_14, %get3A_17, %dot_general3A {dimension_numbers = #tpu.dot_dimension_numbers<[1], [0], [0], [1], [0, 0, 1, 1], [], []>, transpose_lhs_hint = false} : vector<2528x128xf32>, vector<128x128xf32>, vector<2528x128xf32> -> vector<2528x128xf32>
    %mul3A = vector.broadcast %rsqrt3A : vector<2528x1xf32> to vector<2528x128xf32>
    %mul3A_19 = arith.mulf %dot_general3A_18, %mul3A : vector<2528x128xf32>
    %swap3A = arith.constant 0 : index
    %swap3A_20 = arith.constant 0 : index
    %swap3A_21 = vector.load %arg4[%swap3A, %swap3A_20] : memref<2528x128xf32, #tpu.memory_space<vmem>>, vector<2528x128xf32>
    tpu.vector_store %arg4[%swap3A, %swap3A_20], %mul3A_19 {strides = array<i32>} : memref<2528x128xf32, #tpu.memory_space<vmem>>, vector<2528x128xf32>,
    %swap3A_22 = arith.constant 0 : index
    %swap3A_23 = arith.constant 0 : index
    %swap3A_24 = vector.load %arg5[%swap3A_22, %swap3A_23] : memref<2528x1xf32, #tpu.memory_space<vmem>>, vector<2528x1xf32>
    tpu.vector_store %arg5[%swap3A_22, %swap3A_23], %rsqrt3A {strides = array<i32>} : memref<2528x1xf32, #tpu.memory_space<vmem>>, vector<2528x1xf32>,
    return
  }
  func.func @transform_0(%arg0: i32) -> (i32, i32) {
    %c0_i32 = arith.constant 0 : i32
    %c0_i32_0 = arith.constant 0 : i32
    return %arg0, %c0_i32 : i32, i32
  }
  func.func @transform_1(%arg0: i32) -> (i32, i32, i32) {
    %c0_i32 = arith.constant 0 : i32
    %c0_i32_0 = arith.constant 0 : i32
    %c0_i32_1 = arith.constant 0 : i32
    return %c0_i32, %arg0, %c0_i32_0 : i32, i32, i32
  }
  func.func @transform_2(%arg0: i32) -> (i32, i32) {
    %c0_i32 = arith.constant 0 : i32
    %c0_i32_0 = arith.constant 0 : i32
    %c0_i32_1 = arith.constant 0 : i32
    return %c0_i32, %c0_i32_0 : i32, i32
  }
  func.func @transform_3(%arg0: i32) -> (i32, i32) {
    %c0_i32 = arith.constant 0 : i32
    %c0_i32_0 = arith.constant 0 : i32
    return %arg0, %c0_i32 : i32, i32
  }
  func.func @transform_4(%arg0: i32) -> (i32, i32) {
    %c0_i32 = arith.constant 0 : i32
    %c0_i32_0 = arith.constant 0 : i32
    return %arg0, %c0_i32 : i32, i32
  }
}

module attributes {stable_mosaic.version = 14 : i64} {
  func.func @_tc_layer_body(%arg0: i32, %arg1: memref<2x2528x128xf32, #tpu.memory_space<vmem>>, %arg2: memref<2528x128xf32, #tpu.memory_space<vmem>>, %arg3: memref<2528x1xf32, #tpu.memory_space<vmem>>, %arg4: memref<1x128xf32, #tpu.memory_space<vmem>>, %arg5: memref<128x128xf32, #tpu.memory_space<vmem>>, %arg6: memref<2528x128xf32, #tpu.memory_space<vmem>>) attributes {dimension_semantics = [#tpu.dimension_semantics<arbitrary>], iteration_bounds = array<i64: 4>, scalar_prefetch = 0 : i64, scratch_operands = 0 : i64, tpu.core_type = #tpu.core_type<tc>, window_params = [{transform_indices = @transform_0, window_bounds = array<i64: 2, 2528, 128>}, {transform_indices = @transform_1, window_bounds = array<i64: 2528, 128>}, {transform_indices = @transform_2, window_bounds = array<i64: 2528, 1>}, {pipeline_mode = #tpu.pipeline_mode<synchronous>, transform_indices = @transform_3, window_bounds = array<i64: 1, 128>}, {pipeline_mode = #tpu.pipeline_mode<synchronous>, transform_indices = @transform_4, window_bounds = array<i64: 128, 128>}, {transform_indices = @transform_5, window_bounds = array<i64: 2528, 128>}]} {
    %get3A = arith.constant 0 : index
    %get3A_0 = arith.constant 0 : index
    %get3A_1 = vector.load %arg3[%get3A, %get3A_0] : memref<2528x1xf32, #tpu.memory_space<vmem>>, vector<2528x1xf32>
    %get3A_2 = arith.constant 0 : index
    %get3A_3 = arith.constant 0 : index
    %get3A_4 = arith.constant 0 : index
    %get3A_5 = vector.load %arg1[%get3A_2, %get3A_3, %get3A_4] : memref<2x2528x128xf32, #tpu.memory_space<vmem>>, vector<1x2528x128xf32>
    %get3A_6 = vector.shape_cast %get3A_5 : vector<1x2528x128xf32> to vector<2528x128xf32>
    %get3A_7 = arith.constant 1 : index
    %get3A_8 = arith.constant 0 : index
    %get3A_9 = arith.constant 0 : index
    %get3A_10 = vector.load %arg1[%get3A_7, %get3A_8, %get3A_9] : memref<2x2528x128xf32, #tpu.memory_space<vmem>>, vector<1x2528x128xf32>
    %get3A_11 = vector.shape_cast %get3A_10 : vector<1x2528x128xf32> to vector<2528x128xf32>
    %add3A = arith.addf %get3A_6, %get3A_11 : vector<2528x128xf32>
    %get3A_12 = arith.constant 0 : index
    %get3A_13 = arith.constant 0 : index
    %get3A_14 = vector.load %arg2[%get3A_12, %get3A_13] : memref<2528x128xf32, #tpu.memory_space<vmem>>, vector<2528x128xf32>
    %add3A_15 = arith.addf %add3A, %get3A_14 : vector<2528x128xf32>
    %mul3A = vector.broadcast %get3A_1 : vector<2528x1xf32> to vector<2528x128xf32>
    %mul3A_16 = arith.mulf %mul3A, %add3A_15 : vector<2528x128xf32>
    %get3A_17 = arith.constant 0 : index
    %get3A_18 = arith.constant 0 : index
    %get3A_19 = vector.load %arg4[%get3A_17, %get3A_18] : memref<1x128xf32, #tpu.memory_space<vmem>>, vector<1x128xf32>
    %add3A_20 = vector.broadcast %get3A_19 : vector<1x128xf32> to vector<2528x128xf32>
    %add3A_21 = arith.addf %mul3A_16, %add3A_20 : vector<2528x128xf32>
    %max3A = arith.constant 0.000000e+00 : f32
    %max3A_22 = vector.broadcast %max3A : f32 to vector<2528x128xf32>
    %max3A_23 = arith.maximumf %add3A_21, %max3A_22 : vector<2528x128xf32>
    %get3A_24 = arith.constant 0 : index
    %get3A_25 = arith.constant 0 : index
    %get3A_26 = vector.load %arg5[%get3A_24, %get3A_25] : memref<128x128xf32, #tpu.memory_space<vmem>>, vector<128x128xf32>
    %dot_general3A = arith.constant dense<0.000000e+00> : vector<2528x128xf32>
    %dot_general3A_27 = tpu.matmul %max3A_23, %get3A_26, %dot_general3A {dimension_numbers = #tpu.dot_dimension_numbers<[1], [0], [0], [1], [0, 0, 1, 1], [], []>, transpose_lhs_hint = false} : vector<2528x128xf32>, vector<128x128xf32>, vector<2528x128xf32> -> vector<2528x128xf32>
    %mul3A_28 = vector.broadcast %get3A_1 : vector<2528x1xf32> to vector<2528x128xf32>
    %mul3A_29 = arith.mulf %dot_general3A_27, %mul3A_28 : vector<2528x128xf32>
    %swap3A = arith.constant 0 : index
    %swap3A_30 = arith.constant 0 : index
    %swap3A_31 = vector.load %arg6[%swap3A, %swap3A_30] : memref<2528x128xf32, #tpu.memory_space<vmem>>, vector<2528x128xf32>
    tpu.vector_store %arg6[%swap3A, %swap3A_30], %mul3A_29 {strides = array<i32>} : memref<2528x128xf32, #tpu.memory_space<vmem>>, vector<2528x128xf32>,
    return
  }
  func.func @transform_0(%arg0: i32) -> (i32, i32, i32) {
    %c0_i32 = arith.constant 0 : i32
    %c0_i32_0 = arith.constant 0 : i32
    %c0_i32_1 = arith.constant 0 : i32
    return %c0_i32, %arg0, %c0_i32_0 : i32, i32, i32
  }
  func.func @transform_1(%arg0: i32) -> (i32, i32) {
    %c0_i32 = arith.constant 0 : i32
    %c0_i32_0 = arith.constant 0 : i32
    return %arg0, %c0_i32 : i32, i32
  }
  func.func @transform_2(%arg0: i32) -> (i32, i32) {
    %c0_i32 = arith.constant 0 : i32
    %c0_i32_0 = arith.constant 0 : i32
    return %arg0, %c0_i32 : i32, i32
  }
  func.func @transform_3(%arg0: i32) -> (i32, i32) {
    %c0_i32 = arith.constant 0 : i32
    %c0_i32_0 = arith.constant 0 : i32
    %c0_i32_1 = arith.constant 0 : i32
    return %c0_i32, %c0_i32_0 : i32, i32
  }
  func.func @transform_4(%arg0: i32) -> (i32, i32) {
    %c0_i32 = arith.constant 0 : i32
    %c0_i32_0 = arith.constant 0 : i32
    %c0_i32_1 = arith.constant 0 : i32
    return %c0_i32, %c0_i32_0 : i32, i32
  }
  func.func @transform_5(%arg0: i32) -> (i32, i32) {
    %c0_i32 = arith.constant 0 : i32
    %c0_i32_0 = arith.constant 0 : i32
    return %arg0, %c0_i32 : i32, i32
  }
}

module attributes {stable_mosaic.version = 14 : i64} {
  func.func @_tc_head_body(%arg0: i32, %arg1: memref<2x2528x128xf32, #tpu.memory_space<vmem>>, %arg2: memref<2528x128xf32, #tpu.memory_space<vmem>>, %arg3: memref<2528x1xf32, #tpu.memory_space<vmem>>, %arg4: memref<1x128xf32, #tpu.memory_space<vmem>>, %arg5: memref<2528x1xi32, #tpu.memory_space<vmem>>, %arg6: memref<128x64xf32, #tpu.memory_space<vmem>>, %arg7: memref<1x64xf32, #tpu.memory_space<vmem>>, %arg8: memref<64x10xf32, #tpu.memory_space<vmem>>, %arg9: memref<1x10xf32, #tpu.memory_space<vmem>>, %arg10: memref<16x10xf32, #tpu.memory_space<vmem>>, %arg11: memref<16x128xf32, #tpu.memory_space<vmem>>, %arg12: memref<16x1xf32, #tpu.memory_space<vmem>>) attributes {dimension_semantics = [#tpu.dimension_semantics<arbitrary>], iteration_bounds = array<i64: 4>, scalar_prefetch = 0 : i64, scratch_operands = 2 : i64, tpu.core_type = #tpu.core_type<tc>, window_params = [{transform_indices = @transform_0, window_bounds = array<i64: 2, 2528, 128>}, {transform_indices = @transform_1, window_bounds = array<i64: 2528, 128>}, {transform_indices = @transform_2, window_bounds = array<i64: 2528, 1>}, {pipeline_mode = #tpu.pipeline_mode<synchronous>, transform_indices = @transform_3, window_bounds = array<i64: 1, 128>}, {transform_indices = @transform_4, window_bounds = array<i64: 2528, 1>}, {pipeline_mode = #tpu.pipeline_mode<synchronous>, transform_indices = @transform_5, window_bounds = array<i64: 128, 64>}, {pipeline_mode = #tpu.pipeline_mode<synchronous>, transform_indices = @transform_6, window_bounds = array<i64: 1, 64>}, {pipeline_mode = #tpu.pipeline_mode<synchronous>, transform_indices = @transform_7, window_bounds = array<i64: 64, 10>}, {pipeline_mode = #tpu.pipeline_mode<synchronous>, transform_indices = @transform_8, window_bounds = array<i64: 1, 10>}, {pipeline_mode = #tpu.pipeline_mode<synchronous>, transform_indices = @transform_9, window_bounds = array<i64: 16, 10>}]} {
    %eq3A = arith.constant 0 : i32
    %eq3A_0 = arith.cmpi eq, %arg0, %eq3A : i32
    %convert_element_type3A = arith.extui %eq3A_0 : i1 to i32
    %cond3A = arith.constant 0 : i32
    %cond3A_1 = arith.cmpi ne, %convert_element_type3A, %cond3A : i32
    scf.if %cond3A_1 {
      %broadcast_in_dim3A_55 = arith.constant 0.000000e+00 : f32
      %broadcast_in_dim3A_56 = vector.broadcast %broadcast_in_dim3A_55 : f32 to vector<16x128xf32>
      %swap3A_57 = arith.constant 0 : index
      %swap3A_58 = arith.constant 0 : index
      %swap3A_59 = vector.load %arg11[%swap3A_57, %swap3A_58] : memref<16x128xf32, #tpu.memory_space<vmem>>, vector<16x128xf32>
      tpu.vector_store %arg11[%swap3A_57, %swap3A_58], %broadcast_in_dim3A_56 {strides = array<i32>} : memref<16x128xf32, #tpu.memory_space<vmem>>, vector<16x128xf32>,
      %broadcast_in_dim3A_60 = arith.constant 0.000000e+00 : f32
      %broadcast_in_dim3A_61 = vector.broadcast %broadcast_in_dim3A_60 : f32 to vector<16x1xf32>
      %swap3A_62 = arith.constant 0 : index
      %swap3A_63 = arith.constant 0 : index
      %swap3A_64 = vector.load %arg12[%swap3A_62, %swap3A_63] : memref<16x1xf32, #tpu.memory_space<vmem>>, vector<16x1xf32>
      tpu.vector_store %arg12[%swap3A_62, %swap3A_63], %broadcast_in_dim3A_61 {strides = array<i32>} : memref<16x1xf32, #tpu.memory_space<vmem>>, vector<16x1xf32>,
    } else {
    }
    %get3A = arith.constant 0 : index
    %get3A_2 = arith.constant 0 : index
    %get3A_3 = vector.load %arg3[%get3A, %get3A_2] : memref<2528x1xf32, #tpu.memory_space<vmem>>, vector<2528x1xf32>
    %get3A_4 = arith.constant 0 : index
    %get3A_5 = arith.constant 0 : index
    %get3A_6 = arith.constant 0 : index
    %get3A_7 = vector.load %arg1[%get3A_4, %get3A_5, %get3A_6] : memref<2x2528x128xf32, #tpu.memory_space<vmem>>, vector<1x2528x128xf32>
    %get3A_8 = vector.shape_cast %get3A_7 : vector<1x2528x128xf32> to vector<2528x128xf32>
    %get3A_9 = arith.constant 1 : index
    %get3A_10 = arith.constant 0 : index
    %get3A_11 = arith.constant 0 : index
    %get3A_12 = vector.load %arg1[%get3A_9, %get3A_10, %get3A_11] : memref<2x2528x128xf32, #tpu.memory_space<vmem>>, vector<1x2528x128xf32>
    %get3A_13 = vector.shape_cast %get3A_12 : vector<1x2528x128xf32> to vector<2528x128xf32>
    %add3A = arith.addf %get3A_8, %get3A_13 : vector<2528x128xf32>
    %get3A_14 = arith.constant 0 : index
    %get3A_15 = arith.constant 0 : index
    %get3A_16 = vector.load %arg2[%get3A_14, %get3A_15] : memref<2528x128xf32, #tpu.memory_space<vmem>>, vector<2528x128xf32>
    %add3A_17 = arith.addf %add3A, %get3A_16 : vector<2528x128xf32>
    %mul3A = vector.broadcast %get3A_3 : vector<2528x1xf32> to vector<2528x128xf32>
    %mul3A_18 = arith.mulf %mul3A, %add3A_17 : vector<2528x128xf32>
    %get3A_19 = arith.constant 0 : index
    %get3A_20 = arith.constant 0 : index
    %get3A_21 = vector.load %arg4[%get3A_19, %get3A_20] : memref<1x128xf32, #tpu.memory_space<vmem>>, vector<1x128xf32>
    %add3A_22 = vector.broadcast %get3A_21 : vector<1x128xf32> to vector<2528x128xf32>
    %add3A_23 = arith.addf %mul3A_18, %add3A_22 : vector<2528x128xf32>
    %max3A = arith.constant 0.000000e+00 : f32
    %max3A_24 = vector.broadcast %max3A : f32 to vector<2528x128xf32>
    %max3A_25 = arith.maximumf %add3A_23, %max3A_24 : vector<2528x128xf32>
    %get3A_26 = arith.constant 0 : index
    %get3A_27 = arith.constant 0 : index
    %get3A_28 = vector.load %arg5[%get3A_26, %get3A_27] : memref<2528x1xi32, #tpu.memory_space<vmem>>, vector<2528x1xi32>
    %iota3A = tpu.iota {dimensions = array<i32: 1>} : vector<2528x16xi32>
    %eq3A_29 = vector.broadcast %get3A_28 : vector<2528x1xi32> to vector<2528x16xi32>
    %eq3A_30 = arith.cmpi eq, %eq3A_29, %iota3A : vector<2528x16xi32>
    %convert_element_type3A_31 = arith.extui %eq3A_30 : vector<2528x16xi1> to vector<2528x16xi32>
    %convert_element_type3A_32 = arith.sitofp %convert_element_type3A_31 : vector<2528x16xi32> to vector<2528x16xf32>
    %get3A_33 = arith.constant 0 : index
    %get3A_34 = arith.constant 0 : index
    %get3A_35 = vector.load %arg11[%get3A_33, %get3A_34] : memref<16x128xf32, #tpu.memory_space<vmem>>, vector<16x128xf32>
    %dot_general3A = arith.constant dense<0.000000e+00> : vector<16x128xf32>
    %dot_general3A_36 = tpu.matmul %convert_element_type3A_32, %max3A_25, %dot_general3A {dimension_numbers = #tpu.dot_dimension_numbers<[0], [0], [1], [1], [0, 1, 1, 1], [], []>, transpose_lhs_hint = false} : vector<2528x16xf32>, vector<2528x128xf32>, vector<16x128xf32> -> vector<16x128xf32>
    %add3A_37 = arith.addf %get3A_35, %dot_general3A_36 : vector<16x128xf32>
    %swap3A = arith.constant 0 : index
    %swap3A_38 = arith.constant 0 : index
    %swap3A_39 = vector.load %arg11[%swap3A, %swap3A_38] : memref<16x128xf32, #tpu.memory_space<vmem>>, vector<16x128xf32>
    tpu.vector_store %arg11[%swap3A, %swap3A_38], %add3A_37 {strides = array<i32>} : memref<16x128xf32, #tpu.memory_space<vmem>>, vector<16x128xf32>,
    %get3A_40 = arith.constant 0 : index
    %get3A_41 = arith.constant 0 : index
    %get3A_42 = vector.load %arg12[%get3A_40, %get3A_41] : memref<16x1xf32, #tpu.memory_space<vmem>>, vector<16x1xf32>
    %broadcast_in_dim3A = arith.constant 1.000000e+00 : f32
    %broadcast_in_dim3A_43 = vector.broadcast %broadcast_in_dim3A : f32 to vector<2528x1xf32>
    %dot_general3A_44 = arith.constant dense<0.000000e+00> : vector<16x1xf32>
    %dot_general3A_45 = tpu.matmul %convert_element_type3A_32, %broadcast_in_dim3A_43, %dot_general3A_44 {dimension_numbers = #tpu.dot_dimension_numbers<[0], [0], [1], [1], [0, 1, 1, 1], [], []>, transpose_lhs_hint = false} : vector<2528x16xf32>, vector<2528x1xf32>, vector<16x1xf32> -> vector<16x1xf32>
    %add3A_46 = arith.addf %get3A_42, %dot_general3A_45 : vector<16x1xf32>
    %swap3A_47 = arith.constant 0 : index
    %swap3A_48 = arith.constant 0 : index
    %swap3A_49 = vector.load %arg12[%swap3A_47, %swap3A_48] : memref<16x1xf32, #tpu.memory_space<vmem>>, vector<16x1xf32>
    tpu.vector_store %arg12[%swap3A_47, %swap3A_48], %add3A_46 {strides = array<i32>} : memref<16x1xf32, #tpu.memory_space<vmem>>, vector<16x1xf32>,
    %eq3A_50 = arith.constant 3 : i32
    %eq3A_51 = arith.cmpi eq, %arg0, %eq3A_50 : i32
    %convert_element_type3A_52 = arith.extui %eq3A_51 : i1 to i32
    %cond3A_53 = arith.constant 0 : i32
    %cond3A_54 = arith.cmpi ne, %convert_element_type3A_52, %cond3A_53 : i32
    scf.if %cond3A_54 {
      %get3A_55 = arith.constant 0 : index
      %get3A_56 = arith.constant 0 : index
      %get3A_57 = vector.load %arg11[%get3A_55, %get3A_56] : memref<16x128xf32, #tpu.memory_space<vmem>>, vector<16x128xf32>
      %get3A_58 = arith.constant 0 : index
      %get3A_59 = arith.constant 0 : index
      %get3A_60 = vector.load %arg12[%get3A_58, %get3A_59] : memref<16x1xf32, #tpu.memory_space<vmem>>, vector<16x1xf32>
      %max3A_61 = arith.constant 1.000000e+00 : f32
      %max3A_62 = vector.broadcast %max3A_61 : f32 to vector<16x1xf32>
      %max3A_63 = arith.maximumf %get3A_60, %max3A_62 : vector<16x1xf32>
      %div3A = vector.broadcast %max3A_63 : vector<16x1xf32> to vector<16x128xf32>
      %div3A_64 = arith.divf %get3A_57, %div3A : vector<16x128xf32>
      %get3A_65 = arith.constant 0 : index
      %get3A_66 = arith.constant 0 : index
      %get3A_67 = vector.load %arg6[%get3A_65, %get3A_66] : memref<128x64xf32, #tpu.memory_space<vmem>>, vector<128x64xf32>
      %dot_general3A_68 = arith.constant dense<0.000000e+00> : vector<16x64xf32>
      %dot_general3A_69 = tpu.matmul %div3A_64, %get3A_67, %dot_general3A_68 {dimension_numbers = #tpu.dot_dimension_numbers<[1], [0], [0], [1], [0, 0, 1, 1], [], []>, transpose_lhs_hint = false} : vector<16x128xf32>, vector<128x64xf32>, vector<16x64xf32> -> vector<16x64xf32>
      %get3A_70 = arith.constant 0 : index
      %get3A_71 = arith.constant 0 : index
      %get3A_72 = vector.load %arg7[%get3A_70, %get3A_71] : memref<1x64xf32, #tpu.memory_space<vmem>>, vector<1x64xf32>
      %add3A_73 = vector.broadcast %get3A_72 : vector<1x64xf32> to vector<16x64xf32>
      %add3A_74 = arith.addf %dot_general3A_69, %add3A_73 : vector<16x64xf32>
      %max3A_75 = arith.constant 0.000000e+00 : f32
      %max3A_76 = vector.broadcast %max3A_75 : f32 to vector<16x64xf32>
      %max3A_77 = arith.maximumf %add3A_74, %max3A_76 : vector<16x64xf32>
      %get3A_78 = arith.constant 0 : index
      %get3A_79 = arith.constant 0 : index
      %get3A_80 = vector.load %arg8[%get3A_78, %get3A_79] : memref<64x10xf32, #tpu.memory_space<vmem>>, vector<64x10xf32>
      %dot_general3A_81 = arith.constant dense<0.000000e+00> : vector<16x10xf32>
      %dot_general3A_82 = tpu.matmul %max3A_77, %get3A_80, %dot_general3A_81 {dimension_numbers = #tpu.dot_dimension_numbers<[1], [0], [0], [1], [0, 0, 1, 1], [], []>, transpose_lhs_hint = false} : vector<16x64xf32>, vector<64x10xf32>, vector<16x10xf32> -> vector<16x10xf32>
      %get3A_83 = arith.constant 0 : index
      %get3A_84 = arith.constant 0 : index
      %get3A_85 = vector.load %arg9[%get3A_83, %get3A_84] : memref<1x10xf32, #tpu.memory_space<vmem>>, vector<1x10xf32>
      %add3A_86 = vector.broadcast %get3A_85 : vector<1x10xf32> to vector<16x10xf32>
      %add3A_87 = arith.addf %dot_general3A_82, %add3A_86 : vector<16x10xf32>
      %swap3A_88 = arith.constant 0 : index
      %swap3A_89 = arith.constant 0 : index
      %swap3A_90 = vector.load %arg10[%swap3A_88, %swap3A_89] : memref<16x10xf32, #tpu.memory_space<vmem>>, vector<16x10xf32>
      tpu.vector_store %arg10[%swap3A_88, %swap3A_89], %add3A_87 {strides = array<i32>} : memref<16x10xf32, #tpu.memory_space<vmem>>, vector<16x10xf32>,
    } else {
    }
    return
  }
  func.func @transform_0(%arg0: i32) -> (i32, i32, i32) {
    %c0_i32 = arith.constant 0 : i32
    %c0_i32_0 = arith.constant 0 : i32
    %c0_i32_1 = arith.constant 0 : i32
    return %c0_i32, %arg0, %c0_i32_0 : i32, i32, i32
  }
  func.func @transform_1(%arg0: i32) -> (i32, i32) {
    %c0_i32 = arith.constant 0 : i32
    %c0_i32_0 = arith.constant 0 : i32
    return %arg0, %c0_i32 : i32, i32
  }
  func.func @transform_2(%arg0: i32) -> (i32, i32) {
    %c0_i32 = arith.constant 0 : i32
    %c0_i32_0 = arith.constant 0 : i32
    return %arg0, %c0_i32 : i32, i32
  }
  func.func @transform_3(%arg0: i32) -> (i32, i32) {
    %c0_i32 = arith.constant 0 : i32
    %c0_i32_0 = arith.constant 0 : i32
    %c0_i32_1 = arith.constant 0 : i32
    return %c0_i32, %c0_i32_0 : i32, i32
  }
  func.func @transform_4(%arg0: i32) -> (i32, i32) {
    %c0_i32 = arith.constant 0 : i32
    %c0_i32_0 = arith.constant 0 : i32
    return %arg0, %c0_i32 : i32, i32
  }
  func.func @transform_5(%arg0: i32) -> (i32, i32) {
    %c0_i32 = arith.constant 0 : i32
    %c0_i32_0 = arith.constant 0 : i32
    %c0_i32_1 = arith.constant 0 : i32
    return %c0_i32, %c0_i32_0 : i32, i32
  }
  func.func @transform_6(%arg0: i32) -> (i32, i32) {
    %c0_i32 = arith.constant 0 : i32
    %c0_i32_0 = arith.constant 0 : i32
    %c0_i32_1 = arith.constant 0 : i32
    return %c0_i32, %c0_i32_0 : i32, i32
  }
  func.func @transform_7(%arg0: i32) -> (i32, i32) {
    %c0_i32 = arith.constant 0 : i32
    %c0_i32_0 = arith.constant 0 : i32
    %c0_i32_1 = arith.constant 0 : i32
    return %c0_i32, %c0_i32_0 : i32, i32
  }
  func.func @transform_8(%arg0: i32) -> (i32, i32) {
    %c0_i32 = arith.constant 0 : i32
    %c0_i32_0 = arith.constant 0 : i32
    %c0_i32_1 = arith.constant 0 : i32
    return %c0_i32, %c0_i32_0 : i32, i32
  }
  func.func @transform_9(%arg0: i32) -> (i32, i32) {
    %c0_i32 = arith.constant 0 : i32
    %c0_i32_0 = arith.constant 0 : i32
    %c0_i32_1 = arith.constant 0 : i32
    return %c0_i32, %c0_i32_0 : i32, i32
  }
}

</mosaic_0001>

<sc_bundles>
// kernel: kernel.10.cloned.1.call-start
scs
__scs_entry_jumppad:
0x0: {  	(pc) =	sbr.rel $0x88, $3  }
0x1: {  	(tag) =	ssettag $0x0;
	lr =	simm.s32 $0x1  }
0x2: {  	[smem:$0x3F94] =	sst lr;
	_ =	strace $0xD0000000  }
0x3: {  	_ = 	snop  }
0x4: {  	_ = 	snop  }
0x5: {  	_ = 	snop  }
0x6: {  	_ = 	snop  }
0x7: {  	_ = 	snop  }
__scs_overlays_trampoline_lowered:
0x8: {  	[smem:$0x3FA3] =	sst s0  }
0x9: {  	[smem:$0x3FA4] =	sst s1  }
0xa: {  	[smem:$0x3FA5] =	sst s2  }
0xb: {  	[smem:$0x3FA6] =	sst s3  }
0xc: {  	[smem:$0x3FA7] =	sst s4  }
0xd: {  	[smem:$0x3FA8] =	sst s5  }
0xe: {  	[smem:$0x3FA9] =	sst s6  }
0xf: {  	[smem:$0x3FAA] =	sst s7  }
0x10: {  	[smem:$0x3FAB] =	sst s8  }
0x11: {  	[smem:$0x3FAC] =	sst s9;
	s0 =	simm.s32 @!p0 $0x0  }
0x12: {  	s1 =	sld [smem:$0x3F92];
	s0 =	simm.s32 @p0 $0x1  }
0x13: {  	[smem:$0x3FAD] =	sst s0;
	s0 =	simm.s32 @!p1 $0x0  }
0x14: {  	s2 =	sld [smem:$0x3F91];
	s0 =	simm.s32 @p1 $0x1  }
0x15: {  	[smem:$0x3FAE] =	sst s0;
	s0 =	simm.s32 @!p2 $0x0  }
0x16: {  	s3 =	sld [smem:$0x3FDB];
	s0 =	simm.s32 @p2 $0x1  }
0x17: {  	s4 =	simm.s32 $0x1BF5;
	[smem:$0x3FB0] =	sst s0  }
0x18: {  	s0 =	sld [smem:$0x3F93];
	_ =	swait.ge [sflag:s4], $0x0  }
0x19: {  	s7 =	sld [smem:$0x3F94]  }
0x1a: {  	s8 =	sadd.s32 $0xFFFFE003, lr  }
0x1b: {  	s9 =	sadd.s32 $0xFFFFFEF7, lr;
	s5 =	simm.s32 $0xFFFFFFFF;
	p2 =	slt.u32 s8, $0xFFFFF086  }
0x1c: {  	p1 =	slt.u32 s9, $0xF7A;
	s5 =	simm.s32 @!p2 $0x0  }
0x1d: {  	s5 =	simm.s32 @p1 $0x1;
	p0 =	seq.s32 s7, s2  }
0x1e: {  	s7 =	smul.u32 @!p0 $0xF7A, s2;
	p2 =	seq.s32 @!p0 s5, $0x0  }
0x1f: {  	s9 =	smul.u32 $0xF7A, s1;
	s8 =	simm.s32 @!p0 $0x1BF5;
	p2 =	por !p2, p0  }
0x20: {  	[sflag:s8] =	ssyncset.s32 @!p0 $0xFFFFF086;
	s6 =	sadd.s32 @!p0 s3, s7;
	s7 =	simm.s32 @!p0 $0x108  }
0x21: {  	s3 =	sadd.s32 s3, s9;
	s6 =	sadd.s32 @!p0 $0x88, s6;
	s7 =	simm.s32 @p2 $0x1082  }
0x22: {  	[simem:s7], [sflag:s8] =	dma.local @!p0 [hbm:s6], $0xF7A  }
0x23: {  	s9 =	sor.u32 $0xD0000000, s2;
	s6 =	simm.s32 $0x108;
	_ =	swait.ge @!p0 [sflag:s8], $0x0  }
0x24: {  	s3 =	sadd.s32 $0x88, s3;
	s6 =	simm.s32 @!p1 $0x1082;
	[sflag:s4] =	ssyncset.s32 $0xFFFFF086  }
0x25: {  	[simem:s6], [sflag:s4] =	dma.local [hbm:s3], $0xF7A  }
0x26: {  	[smem:$0x3F94] =	sst s1;
	(tag) =	ssettag s2;
	_ =	strace s9  }
0x27: {  	s1 =	sld [smem:$0x3FA4]  }
0x28: {  	s2 =	sld [smem:$0x3FA5]  }
0x29: {  	s4 =	sld [smem:$0x3FA7]  }
0x2a: {  	p0 =	seq.s32 s5, $0x0;
	s5 =	sld [smem:$0x3FA8]  }
0x2b: {  	s6 =	sld [smem:$0x3FA9]  }
0x2c: {  	s7 =	sld [smem:$0x3FAA]  }
0x2d: {  	s3 =	simm.s32 $0x108;
	s8 =	sld [smem:$0x3FAB]  }
0x2e: {  	s3 =	simm.s32 @!p0 $0x1082;
	s9 =	sld [smem:$0x3FAC]  }
0x2f: {  	lr =	sadd.s32 s0, s3;
	s0 =	sld [smem:$0x3FA3]  }
0x30: {  	s3 =	sld [smem:$0x3FA6]  }
0x31: {  	[smem:$0x3FAF] =	sst s10  }
0x32: {  	s10 =	sld [smem:$0x3FAD];
	_ =	sdelay $0x3  }
0x33: {  	p0 =	seq.s32 s10, $0x1;
	s10 =	sld [smem:$0x3FAF];
	_ =	sdelay $0x3  }
0x34: {  	[smem:$0x3FAF] =	sst s10  }
0x35: {  	s10 =	sld [smem:$0x3FAE];
	_ =	sdelay $0x3  }
0x36: {  	p1 =	seq.s32 s10, $0x1;
	s10 =	sld [smem:$0x3FAF];
	_ =	sdelay $0x3  }
0x37: {  	[smem:$0x3FAF] =	sst s10  }
0x38: {  	s10 =	sld [smem:$0x3FB0]  }
0x39: {  	_ = 	snop;
	(pc) =	sbr.ind lr, $3  }
0x3a: {  	_ = 	snop  }
0x3b: {  	_ = 	snop  }
0x3c: {  	p2 =	seq.s32 s10, $0x1;
	s10 =	sld [smem:$0x3FAF]  }
0x3d: {  	_ =	shalt  }
0x3e: {  	_ =	shalt  }
0x3f: {  	_ =	shalt  }
0x40: {  	_ =	shalt  }
0x41: {  	_ =	shalt  }
0x42: {  	_ =	shalt  }
0x43: {  	_ =	shalt  }
0x44: {  	_ =	shalt  }
0x45: {  	_ =	shalt  }
0x46: {  	_ =	shalt  }
0x47: {  	_ =	shalt  }
0x48: {  	_ =	shalt  }
0x49: {  	_ =	shalt  }
0x4a: {  	_ =	shalt  }
0x4b: {  	_ =	shalt  }
0x4c: {  	_ =	shalt  }
0x4d: {  	_ =	shalt  }
0x4e: {  	_ =	shalt  }
0x4f: {  	_ =	shalt  }
0x50: {  	_ =	shalt  }
0x51: {  	_ =	shalt  }
0x52: {  	_ =	shalt  }
0x53: {  	_ =	shalt  }
0x54: {  	_ =	shalt  }
0x55: {  	_ =	shalt  }
0x56: {  	_ =	shalt  }
0x57: {  	_ =	shalt  }
0x58: {  	_ =	shalt  }
0x59: {  	_ =	shalt  }
0x5a: {  	_ =	shalt  }
0x5b: {  	_ =	shalt  }
0x5c: {  	_ =	shalt  }
0x5d: {  	_ =	shalt  }
0x5e: {  	_ =	shalt  }
0x5f: {  	_ =	shalt  }
0x60: {  	_ =	shalt  }
0x61: {  	_ =	shalt  }
0x62: {  	_ =	shalt  }
0x63: {  	_ =	shalt  }
0x64: {  	_ =	shalt  }
0x65: {  	_ =	shalt  }
0x66: {  	_ =	shalt  }
0x67: {  	_ =	shalt  }
0x68: {  	_ =	shalt  }
0x69: {  	_ =	shalt  }
0x6a: {  	_ =	shalt  }
0x6b: {  	_ =	shalt  }
0x6c: {  	_ =	shalt  }
0x6d: {  	_ =	shalt  }
0x6e: {  	_ =	shalt  }
0x6f: {  	_ =	shalt  }
0x70: {  	_ =	shalt  }
0x71: {  	_ =	shalt  }
0x72: {  	_ =	shalt  }
0x73: {  	_ =	shalt  }
0x74: {  	_ =	shalt  }
0x75: {  	_ =	shalt  }
0x76: {  	_ =	shalt  }
0x77: {  	_ =	shalt  }
0x78: {  	_ =	shalt  }
0x79: {  	_ =	shalt  }
0x7a: {  	_ =	shalt  }
0x7b: {  	_ =	shalt  }
0x7c: {  	_ =	shalt  }
0x7d: {  	_ =	shalt  }
0x7e: {  	_ =	shalt  }
0x7f: {  	_ =	shalt  }
0x80: {  	_ =	shalt  }
0x81: {  	_ =	shalt  }
0x82: {  	_ =	shalt  }
0x83: {  	_ =	shalt  }
0x84: {  	_ =	shalt  }
0x85: {  	_ =	shalt  }
0x86: {  	_ =	shalt  }
0x87: {  	_ =	shalt  }
.Lfunc_end0:
.L_simem_size_0:
called_computation_lowered:
.L_overlay_start_0:
0x88: {  	s2 =	sld [smem:$0x3FD9]  }
0x89: {  	s3 =	sld [smem:$0x3FFE];
	_ =	sdelay $0x1  }
0x8a: {  	s1 =	srdreg.scid  }
0x8b: {  	s0 =	sand.u32 $0x1, s1  }
0x8c: {  	s16 =	sshll.u32 s0, $0xA;
	s2 =	sadd.s32 s3, s2  }
0x8d: {  	s2 =	sadd.s32 s2, s16  }
0x8e: {  	[smem:$0x3FBB] =	sst s2  }
0x8f: {  	_ = 	snop  }
0x90: {  	(tm) =	ssettm $0x1  }
0x91: {  	s17 =	sld [smem:$0x3FFB];
	_ =	sdelay $0x3  }
0x92: {  	_ =	strace s17  }
0x93: {  	s2 =	sld [smem:$0x3FFC];
	_ =	sdelay $0x3  }
0x94: {  	_ =	strace s2  }
0x95: {  	s2 =	sld [smem:$0x3FFD];
	_ =	sdelay $0x3  }
0x96: {  	_ =	strace s2  }
0x97: {  	_ =	strace $0x8FFFFFFF  }
0x98: {  	s18 =	sld [smem:$0x3FDB];
	_ =	sdelay $0x1  }
0x99: {  	s19 =	simm.s32 $_scs_section_size  }
0x9a: {  	s4 =	simm.s32 $_size__tile_overlayer_lowered;
	s5 =	simm.s32 $_tile_overlayer_lowered  }
0x9b: {  	s22 =	simm.s32 $0x1BFF;
	s21 =	sshll.u32 s5, $0x1;
	s2 =	sadd.s32 s19, s18  }
0x9c: {  	s6 =	simm.s32 $0x0;
	s20 =	sshll.u32 s4, $0x1;
	s4 =	sadd.s32 s21, s2  }
0x9d: {  	[timem:s6], [sflag:s22] =	dma.local [hbm:s4], s20  }
0x9e: {  	_ =	swait.ge [sflag:s22], s20  }
0x9f: {  	s3 =	ssub.s32 $0x0, s20;
	[sflag:s22] =	ssyncset.done $0x0  }
0xa0: {  	[sflag:s22] =	ssyncadd.s32 s3;
	_ =	sdelay $0x1  }
0xa1: {  	s23 =	simm.s32 $0x1B8B  }
0xa2: {  	_ =	swait.ge [sflag:s23], $0x1  }
0xa3: {  	[sflag:s23] =	ssyncset.done $0x0  }
0xa4: {  	s25 =	simm.s32 $0x1B8E;
	s24 =	sld [smem:$0x3FFE];
	[sflag:s23] =	ssyncadd.s32 $0xFFFFFFFF  }
0xa5: {  	s26 =	simm.s32 $execute0_lowered;
	[smem:$0x3FD2] =	sst s25  }
0xa6: {  	s4 =	sshll.u32 s26, $0x1;
	_ =	strace $0x80000046;
	[dreg:$0x1] =	wrdreg $0xFFFFFFFF  }
0xa7: {  	s28 =	simm.s32 $_size_execute0_lowered;
	s2 =	sadd.s32 s2, s4;
	[dreg:$0x0] =	wrdreg $0x0  }
0xa8: {  	s4 =	sshll.u32 s28, $0x1;
	[dreg:$0x2] =	wrdreg s2  }
0xa9: {  	[dreg:$0x3] =	wrdreg s4  }
0xaa: {  	[dreg:$0x4] =	wrdreg $0xC0  }
0xab: {  	_ =	task [dreg:s6], $0x5FFFF  }
0xac: {  	[dreg:$0x1] =	wrdreg $0xFFFFFFFF  }
0xad: {  	[dreg:$0x0] =	wrdreg $0x60  }
0xae: {  	[dreg:$0x2] =	wrdreg s24  }
0xaf: {  	[dreg:$0x3] =	wrdreg $0x0  }
0xb0: {  	[dreg:$0x4] =	wrdreg $0x9  }
0xb1: {  	_ =	task.clear_ibuf [dreg:s6], $0x5FFFF;
	_ =	strace $0x90000046  }
0xb2: {  	s29 =	simm.s32 $0x9;
	_ =	strace $0x80000048  }
0xb3: {  	_ =	swait.ge [sflag:s29], $0x1  }
0xb4: {  	[sflag:s29] =	ssyncadd.s32 $0xFFFFFFFF  }
0xb5: {  	_ =	strace $0x90000048  }
0xb6: {  	_ =	sfence  }
0xb7: {  	s30 =	sld [smem:$0x0];
	_ =	sdelay $0x2  }
0xb8: {  	s31 =	sshll.u32 s1, $0xD;
	s1 =	sshrl.u32 s1, $0x2  }
0xb9: {  	s3 =	sand.u32 $0x4000, s31;
	s1 =	sadd.s32 s1, s30  }
0xba: {  	s0 =	sor.u32 s3, s0;
	s1 =	sshll.u32 s1, $0x11  }
0xbb: {  	s0 =	sor.u32 s1, s0  }
0xbc: {  	s0 =	sadd.s32 $0x8F2B, s0  }
0xbd: {  	[sflag:s0] =	ssyncadd.remote.s32 $0x1  }
0xbe: {  	_ =	sfence.sel $0xFFFF  }
0xbf: {  	[dreg:$0x0] =	wrdreg $0xFFFFFFFF;
	(pc) =	sbr.abs _section_cstart, $3  }
0xc0: {  	[dreg:$0x1] =	wrdreg $0xFFFFFFFF  }
0xc1: {  	_ =	task.clear_ibuf [dreg:s6], $0x2FFFF;
	_ =	strace $0x9FFFFFFF  }
0xc2: {  	(tm) =	ssettm $0x7FFFFFFF  }
0xc3: {  	_ =	shalt  }
tec
execute0_lowered:
.L_overlay_start_1:
0x0: {  	(tag) =	ssettag $0x1  }
0x1: {  	s6 =	rddreg [dreg:$0x0]  }
0x2: {  	s0 =	srdreg.scid;
	s2 =	rddreg [dreg:$0x1]  }
0x3: {  	s3 =	simm.s32 $0x0;
	s5 =	sand.u32 $0x1, s0;
	s0 =	stileid.u32  }
0x4: {  	s14 =	simm.s32 $0x80;
	s15 =	simm.s32 $0x0;
	s7 =	smul.u32 $0x13C00, s0  }
0x5: {  	[smem:$0x7FF] =	sst s3;
	s1 =	sshll.u32 s5, $0x4;
	s8 =	smul.u32 $0x13C000, s5  }
0x6: {  	s5 =	ssub.s32 $0x2, s5;
	s28 =	smul.u32 $0x4F000, s0;
	s1 =	sor.u32 s0, s1  }
0x7: {  	s31 =	sshll.u32 s0, $0x6;
	s29 =	sshrl.u32 s5, $0x1;
	s4 =	smul.u32 $0x500, s1  }
0x8: {  	s1 =	rddreg [dreg:$0x2];
	_ =	strace $0x80000047;
	s10 =	sshrl.u32 s7, $0x3  }
0x9: {  	s7 =	sadd.s32 s7, s8;
	s12 =	ssub.s32 s5, s29;
	s30 =	sshrl.u32 s28, $0x2  }
0xa: {  	s7 =	sshrl.u32 s7, $0x3;
	s10 =	sadd.s32 s10, s6;
	s13 =	sadd.s32 s30, s2  }
0xb: {  	s9 =	sadd.s32 s4, s6;
	s4 =	sadd.s32 $0x34C00, s6;
	s11 =	sadd.s32 s7, s6  }
0xc: {  	s5 =	sadd.s32 $0xD400, s10;
	s6 =	sor.u32 $0x1C01, s31;
	s10 =	sshrl.u32 s13, $0x3  }
0xd: {  	s13 =	simm.s32 $0x13C00;
	s7 =	sadd.s32 $0x3400, s9;
	s8 =	sadd.s32 $0x35400, s11  }
0xe: {  	s9 =	smax.u32 s12, $0x1;
	s11 =	simm.s32 $0x1;
	s12 =	simm.s32 $0x16400  }
.LBB2_1:
0xf: {  	[spmem:s10], [sflag:s6] =	dma.local [hbm:s5], $0x2780  }
0x10: {  	_ =	swait.ge [sflag:s11], $0x2780  }
0x11: {  	[sflag:s11] =	ssyncset.done $0x0  }
0x12: {  	[sflag:s11] =	ssyncadd.s32 $0xFFFFD880  }
0x13: {  	[tilespmem:s12], [sflag:$0x1] =	stream.linear.gather [hbm4b:s4+s3], $0x4000, $0x38;
	[tilespmem:$0x1A400] =	vst v63  }
0x14: {  	_ =	swait.ge [sflag:s11], $0x4000  }
0x15: {  	[sflag:s11] =	ssyncset.done $0x0  }
0x16: {  	[sflag:s11] =	ssyncadd.s32 $0xFFFFC000  }
0x17: {  	[tilespmem:s13], [sflag:$0x1] =	stream.linear.gather [hbm4b:s7+s3], $0x2780, $0x38;
	[tilespmem:$0x1A400] =	vst v63  }
0x18: {  	_ =	swait.ge [sflag:s11], $0x2780  }
0x19: {  	[sflag:s11] =	ssyncset.done $0x0  }
0x1a: {  	[sflag:s11] =	ssyncadd.s32 $0xFFFFD880  }
0x1b: {  	s16 =	simm.s32 $0x13C00;
	[bflag:$0x0] =	sbarrier.arrive $0xFFFF  }
0x1c: {  	[spmem:s2] =	stream.indirect.scatter.add.f32 [tilespmem:s12], [sflag:$0x1], $0x80, s16, s14, $0xb8;
	[tilespmem:$0x1A400] =	vst v63  }
0x1d: {  	s16 =	simm.s32 $0x200;
	_ =	swait.ge [sflag:s11], $0x4000  }
.LBB2_2:
0x1e: {  	s17 =	sshra.s32 s16, $0x2;
	[sflag:s11] =	ssyncset.done $0x0;
	p0 =	sne.s32 s16, $0x9C00  }
.Ltmp0:
0x1f: {  	s17 =	sadd.s32 $0x13C00, s17;
	[sflag:s11] =	ssyncadd.s32 $0xFFFFC000;
	(pc) =	sbr.rel @p0 .LBB2_2-.Ltmp0, $3  }
0x20: {  	[spmem:s2] =	stream.indirect.scatter.add.f32 [tilespmem:s12], [sflag:$0x1], $0x80, s17, s14, $0xb8;
	[tilespmem:$0x1A400] =	vst v63  }
0x21: {  	s16 =	sadd.s32 $0x200, s16;
	_ =	sdelay $0x1  }
0x22: {  	_ =	swait.ge [sflag:s11], $0x4000  }
0x23: {  	[sflag:s11] =	ssyncset.done $0x0;
	s15 =	sadd.s32 $0x1, s15  }
0x24: {  	[sflag:s11] =	ssyncadd.s32 $0xFFFFC000;
	p0 =	sne.s32 s15, s9  }
.Ltmp1:
0x25: {  	[bflag:$0x0] =	sbarrier.arrive $0xFFFF;
	(pc) =	sbr.rel @p0 .LBB2_1-.Ltmp1, $4  }
0x26: {  	[hbm:s8], [sflag:s6] =	dma.local [spmem:s10], $0x2780  }
0x27: {  	_ =	swait.ge [sflag:s11], $0x2780  }
0x28: {  	[sflag:s11] =	ssyncset.done $0x0  }
0x29: {  	[sflag:s11] =	ssyncadd.s32 $0xFFFFD880  }
0x2a: {  	_ =	sfence.sel $0x180000  }
0x2b: {  	[bflag:$0x0] =	sbarrier.arrive $0xFFFF  }
0x2c: {  	p0 =	sne.s32 s0, $0x0;
	_ =	strace $0x90000047  }
0x2d: {  	s0 =	sadd.s32 @!p0 $0x100000, s1;
	[bflag:$0x2] =	sbarrier.arrive $0xFFFF  }
0x2e: {  	[sflag:s0] =	ssyncadd.tile.s32 @!p0 $0x1;
	_ =	shalt  }
.Lfunc_end2:
_tile_overlayer_lowered:
.L_overlay_start_2:
0x2f: {  	(tag) =	ssettag $0x2  }
0x30: {  	s0 =	rddreg [dreg:$0x0];
	s2 =	stileid.u32  }
0x31: {  	s1 =	rddreg [dreg:$0x1];
	p0 =	sne.s32 s2, $0x0  }
0x32: {  	s3 =	rddreg [dreg:$0x2];
	[bflag:$0x3] =	sbarrier.arrive $0xFFFF;
	s2 =	simm.s32 @!p0 $0x1C01  }
0x33: {  	[timem:s3], [sflag:s2] =	dma.local @!p0 [hbm:s0], s1  }
0x34: {  	s0 =	simm.s32 @!p0 $0x1  }
0x35: {  	_ =	swait.ge @!p0 [sflag:s0], s1  }
0x36: {  	s1 =	ssub.s32 @!p0 $0x0, s1;
	[sflag:s0] =	ssyncset.done @!p0 $0x0  }
0x37: {  	[sflag:s0] =	ssyncadd.s32 @!p0 s1  }
0x38: {  	[bflag:$0x3] =	sbarrier.arrive $0xFFFF  }
0x39: {  	_ =	shalt  }

// kernel: kernel.13.cloned.1.call-start
scs
__scs_entry_jumppad:
0x0: {  	(pc) =	sbr.rel $0x88, $3  }
0x1: {  	(tag) =	ssettag $0x0;
	lr =	simm.s32 $0x1  }
0x2: {  	[smem:$0x3F94] =	sst lr;
	_ =	strace $0xD0000000  }
0x3: {  	_ = 	snop  }
0x4: {  	_ = 	snop  }
0x5: {  	_ = 	snop  }
0x6: {  	_ = 	snop  }
0x7: {  	_ = 	snop  }
__scs_overlays_trampoline_lowered:
0x8: {  	[smem:$0x3FA3] =	sst s0  }
0x9: {  	[smem:$0x3FA4] =	sst s1  }
0xa: {  	[smem:$0x3FA5] =	sst s2  }
0xb: {  	[smem:$0x3FA6] =	sst s3  }
0xc: {  	[smem:$0x3FA7] =	sst s4  }
0xd: {  	[smem:$0x3FA8] =	sst s5  }
0xe: {  	[smem:$0x3FA9] =	sst s6  }
0xf: {  	[smem:$0x3FAA] =	sst s7  }
0x10: {  	[smem:$0x3FAB] =	sst s8  }
0x11: {  	[smem:$0x3FAC] =	sst s9;
	s0 =	simm.s32 @!p0 $0x0  }
0x12: {  	s1 =	sld [smem:$0x3F92];
	s0 =	simm.s32 @p0 $0x1  }
0x13: {  	[smem:$0x3FAD] =	sst s0;
	s0 =	simm.s32 @!p1 $0x0  }
0x14: {  	s2 =	sld [smem:$0x3F91];
	s0 =	simm.s32 @p1 $0x1  }
0x15: {  	[smem:$0x3FAE] =	sst s0;
	s0 =	simm.s32 @!p2 $0x0  }
0x16: {  	s3 =	sld [smem:$0x3FDB];
	s0 =	simm.s32 @p2 $0x1  }
0x17: {  	s4 =	simm.s32 $0x1BF5;
	[smem:$0x3FB0] =	sst s0  }
0x18: {  	s0 =	sld [smem:$0x3F93];
	_ =	swait.ge [sflag:s4], $0x0  }
0x19: {  	s7 =	sld [smem:$0x3F94]  }
0x1a: {  	s8 =	sadd.s32 $0xFFFFE003, lr  }
0x1b: {  	s9 =	sadd.s32 $0xFFFFFEF7, lr;
	s5 =	simm.s32 $0xFFFFFFFF;
	p2 =	slt.u32 s8, $0xFFFFF086  }
0x1c: {  	p1 =	slt.u32 s9, $0xF7A;
	s5 =	simm.s32 @!p2 $0x0  }
0x1d: {  	s5 =	simm.s32 @p1 $0x1;
	p0 =	seq.s32 s7, s2  }
0x1e: {  	s7 =	smul.u32 @!p0 $0xF7A, s2;
	p2 =	seq.s32 @!p0 s5, $0x0  }
0x1f: {  	s9 =	smul.u32 $0xF7A, s1;
	s8 =	simm.s32 @!p0 $0x1BF5;
	p2 =	por !p2, p0  }
0x20: {  	[sflag:s8] =	ssyncset.s32 @!p0 $0xFFFFF086;
	s6 =	sadd.s32 @!p0 s3, s7;
	s7 =	simm.s32 @!p0 $0x108  }
0x21: {  	s3 =	sadd.s32 s3, s9;
	s6 =	sadd.s32 @!p0 $0x88, s6;
	s7 =	simm.s32 @p2 $0x1082  }
0x22: {  	[simem:s7], [sflag:s8] =	dma.local @!p0 [hbm:s6], $0xF7A  }
0x23: {  	s9 =	sor.u32 $0xD0000000, s2;
	s6 =	simm.s32 $0x108;
	_ =	swait.ge @!p0 [sflag:s8], $0x0  }
0x24: {  	s3 =	sadd.s32 $0x88, s3;
	s6 =	simm.s32 @!p1 $0x1082;
	[sflag:s4] =	ssyncset.s32 $0xFFFFF086  }
0x25: {  	[simem:s6], [sflag:s4] =	dma.local [hbm:s3], $0xF7A  }
0x26: {  	[smem:$0x3F94] =	sst s1;
	(tag) =	ssettag s2;
	_ =	strace s9  }
0x27: {  	s1 =	sld [smem:$0x3FA4]  }
0x28: {  	s2 =	sld [smem:$0x3FA5]  }
0x29: {  	s4 =	sld [smem:$0x3FA7]  }
0x2a: {  	p0 =	seq.s32 s5, $0x0;
	s5 =	sld [smem:$0x3FA8]  }
0x2b: {  	s6 =	sld [smem:$0x3FA9]  }
0x2c: {  	s7 =	sld [smem:$0x3FAA]  }
0x2d: {  	s3 =	simm.s32 $0x108;
	s8 =	sld [smem:$0x3FAB]  }
0x2e: {  	s3 =	simm.s32 @!p0 $0x1082;
	s9 =	sld [smem:$0x3FAC]  }
0x2f: {  	lr =	sadd.s32 s0, s3;
	s0 =	sld [smem:$0x3FA3]  }
0x30: {  	s3 =	sld [smem:$0x3FA6]  }
0x31: {  	[smem:$0x3FAF] =	sst s10  }
0x32: {  	s10 =	sld [smem:$0x3FAD];
	_ =	sdelay $0x3  }
0x33: {  	p0 =	seq.s32 s10, $0x1;
	s10 =	sld [smem:$0x3FAF];
	_ =	sdelay $0x3  }
0x34: {  	[smem:$0x3FAF] =	sst s10  }
0x35: {  	s10 =	sld [smem:$0x3FAE];
	_ =	sdelay $0x3  }
0x36: {  	p1 =	seq.s32 s10, $0x1;
	s10 =	sld [smem:$0x3FAF];
	_ =	sdelay $0x3  }
0x37: {  	[smem:$0x3FAF] =	sst s10  }
0x38: {  	s10 =	sld [smem:$0x3FB0]  }
0x39: {  	_ = 	snop;
	(pc) =	sbr.ind lr, $3  }
0x3a: {  	_ = 	snop  }
0x3b: {  	_ = 	snop  }
0x3c: {  	p2 =	seq.s32 s10, $0x1;
	s10 =	sld [smem:$0x3FAF]  }
0x3d: {  	_ =	shalt  }
0x3e: {  	_ =	shalt  }
0x3f: {  	_ =	shalt  }
0x40: {  	_ =	shalt  }
0x41: {  	_ =	shalt  }
0x42: {  	_ =	shalt  }
0x43: {  	_ =	shalt  }
0x44: {  	_ =	shalt  }
0x45: {  	_ =	shalt  }
0x46: {  	_ =	shalt  }
0x47: {  	_ =	shalt  }
0x48: {  	_ =	shalt  }
0x49: {  	_ =	shalt  }
0x4a: {  	_ =	shalt  }
0x4b: {  	_ =	shalt  }
0x4c: {  	_ =	shalt  }
0x4d: {  	_ =	shalt  }
0x4e: {  	_ =	shalt  }
0x4f: {  	_ =	shalt  }
0x50: {  	_ =	shalt  }
0x51: {  	_ =	shalt  }
0x52: {  	_ =	shalt  }
0x53: {  	_ =	shalt  }
0x54: {  	_ =	shalt  }
0x55: {  	_ =	shalt  }
0x56: {  	_ =	shalt  }
0x57: {  	_ =	shalt  }
0x58: {  	_ =	shalt  }
0x59: {  	_ =	shalt  }
0x5a: {  	_ =	shalt  }
0x5b: {  	_ =	shalt  }
0x5c: {  	_ =	shalt  }
0x5d: {  	_ =	shalt  }
0x5e: {  	_ =	shalt  }
0x5f: {  	_ =	shalt  }
0x60: {  	_ =	shalt  }
0x61: {  	_ =	shalt  }
0x62: {  	_ =	shalt  }
0x63: {  	_ =	shalt  }
0x64: {  	_ =	shalt  }
0x65: {  	_ =	shalt  }
0x66: {  	_ =	shalt  }
0x67: {  	_ =	shalt  }
0x68: {  	_ =	shalt  }
0x69: {  	_ =	shalt  }
0x6a: {  	_ =	shalt  }
0x6b: {  	_ =	shalt  }
0x6c: {  	_ =	shalt  }
0x6d: {  	_ =	shalt  }
0x6e: {  	_ =	shalt  }
0x6f: {  	_ =	shalt  }
0x70: {  	_ =	shalt  }
0x71: {  	_ =	shalt  }
0x72: {  	_ =	shalt  }
0x73: {  	_ =	shalt  }
0x74: {  	_ =	shalt  }
0x75: {  	_ =	shalt  }
0x76: {  	_ =	shalt  }
0x77: {  	_ =	shalt  }
0x78: {  	_ =	shalt  }
0x79: {  	_ =	shalt  }
0x7a: {  	_ =	shalt  }
0x7b: {  	_ =	shalt  }
0x7c: {  	_ =	shalt  }
0x7d: {  	_ =	shalt  }
0x7e: {  	_ =	shalt  }
0x7f: {  	_ =	shalt  }
0x80: {  	_ =	shalt  }
0x81: {  	_ =	shalt  }
0x82: {  	_ =	shalt  }
0x83: {  	_ =	shalt  }
0x84: {  	_ =	shalt  }
0x85: {  	_ =	shalt  }
0x86: {  	_ =	shalt  }
0x87: {  	_ =	shalt  }
.Lfunc_end0:
.L_simem_size_0:
called_computation.1_lowered:
.L_overlay_start_0:
0x88: {  	s2 =	sld [smem:$0x3FD9]  }
0x89: {  	s3 =	sld [smem:$0x3FFE];
	_ =	sdelay $0x1  }
0x8a: {  	s1 =	srdreg.scid  }
0x8b: {  	s0 =	sand.u32 $0x1, s1  }
0x8c: {  	s16 =	sshll.u32 s0, $0xA;
	s2 =	sadd.s32 s3, s2  }
0x8d: {  	s2 =	sadd.s32 s2, s16  }
0x8e: {  	[smem:$0x3FBB] =	sst s2  }
0x8f: {  	_ = 	snop  }
0x90: {  	(tm) =	ssettm $0x1  }
0x91: {  	s17 =	sld [smem:$0x3FFB];
	_ =	sdelay $0x3  }
0x92: {  	_ =	strace s17  }
0x93: {  	s2 =	sld [smem:$0x3FFC];
	_ =	sdelay $0x3  }
0x94: {  	_ =	strace s2  }
0x95: {  	s2 =	sld [smem:$0x3FFD];
	_ =	sdelay $0x3  }
0x96: {  	_ =	strace s2  }
0x97: {  	_ =	strace $0x8FFFFFFF  }
0x98: {  	s18 =	sld [smem:$0x3FDB];
	_ =	sdelay $0x1  }
0x99: {  	s19 =	simm.s32 $_scs_section_size  }
0x9a: {  	s4 =	simm.s32 $_size__tile_overlayer_lowered;
	s5 =	simm.s32 $_tile_overlayer_lowered  }
0x9b: {  	s22 =	simm.s32 $0x1BFF;
	s21 =	sshll.u32 s5, $0x1;
	s2 =	sadd.s32 s19, s18  }
0x9c: {  	s6 =	simm.s32 $0x0;
	s20 =	sshll.u32 s4, $0x1;
	s4 =	sadd.s32 s21, s2  }
0x9d: {  	[timem:s6], [sflag:s22] =	dma.local [hbm:s4], s20  }
0x9e: {  	_ =	swait.ge [sflag:s22], s20  }
0x9f: {  	s3 =	ssub.s32 $0x0, s20;
	[sflag:s22] =	ssyncset.done $0x0  }
0xa0: {  	[sflag:s22] =	ssyncadd.s32 s3;
	_ =	sdelay $0x1  }
0xa1: {  	s23 =	simm.s32 $0x1B8B  }
0xa2: {  	_ =	swait.ge [sflag:s23], $0x1  }
0xa3: {  	[sflag:s23] =	ssyncset.done $0x0  }
0xa4: {  	s25 =	simm.s32 $0x1B8E;
	s24 =	sld [smem:$0x3FFE];
	[sflag:s23] =	ssyncadd.s32 $0xFFFFFFFF  }
0xa5: {  	s26 =	simm.s32 $execute0_lowered;
	[smem:$0x3FD2] =	sst s25  }
0xa6: {  	s4 =	sshll.u32 s26, $0x1;
	_ =	strace $0x80000049;
	[dreg:$0x1] =	wrdreg $0xFFFFFFFF  }
0xa7: {  	s28 =	simm.s32 $_size_execute0_lowered;
	s2 =	sadd.s32 s2, s4;
	[dreg:$0x0] =	wrdreg $0x0  }
0xa8: {  	s4 =	sshll.u32 s28, $0x1;
	[dreg:$0x2] =	wrdreg s2  }
0xa9: {  	[dreg:$0x3] =	wrdreg s4  }
0xaa: {  	[dreg:$0x4] =	wrdreg $0xC0  }
0xab: {  	_ =	task [dreg:s6], $0x5FFFF  }
0xac: {  	[dreg:$0x1] =	wrdreg $0xFFFFFFFF  }
0xad: {  	[dreg:$0x0] =	wrdreg $0x60  }
0xae: {  	[dreg:$0x2] =	wrdreg s24  }
0xaf: {  	[dreg:$0x3] =	wrdreg $0x0  }
0xb0: {  	[dreg:$0x4] =	wrdreg $0x9  }
0xb1: {  	_ =	task.clear_ibuf [dreg:s6], $0x5FFFF;
	_ =	strace $0x90000049  }
0xb2: {  	s29 =	simm.s32 $0x9;
	_ =	strace $0x8000004B  }
0xb3: {  	_ =	swait.ge [sflag:s29], $0x1  }
0xb4: {  	[sflag:s29] =	ssyncadd.s32 $0xFFFFFFFF  }
0xb5: {  	_ =	strace $0x9000004B  }
0xb6: {  	_ =	sfence  }
0xb7: {  	s30 =	sld [smem:$0x0];
	_ =	sdelay $0x2  }
0xb8: {  	s31 =	sshll.u32 s1, $0xD;
	s1 =	sshrl.u32 s1, $0x2  }
0xb9: {  	s3 =	sand.u32 $0x4000, s31;
	s1 =	sadd.s32 s1, s30  }
0xba: {  	s0 =	sor.u32 s3, s0;
	s1 =	sshll.u32 s1, $0x11  }
0xbb: {  	s0 =	sor.u32 s1, s0  }
0xbc: {  	s0 =	sadd.s32 $0x8F2B, s0  }
0xbd: {  	[sflag:s0] =	ssyncadd.remote.s32 $0x1  }
0xbe: {  	_ =	sfence.sel $0xFFFF  }
0xbf: {  	[dreg:$0x0] =	wrdreg $0xFFFFFFFF;
	(pc) =	sbr.abs _section_cstart, $3  }
0xc0: {  	[dreg:$0x1] =	wrdreg $0xFFFFFFFF  }
0xc1: {  	_ =	task.clear_ibuf [dreg:s6], $0x2FFFF;
	_ =	strace $0x9FFFFFFF  }
0xc2: {  	(tm) =	ssettm $0x7FFFFFFF  }
0xc3: {  	_ =	shalt  }
tec
execute0_lowered:
.L_overlay_start_1:
0x0: {  	(tag) =	ssettag $0x1  }
0x1: {  	s6 =	rddreg [dreg:$0x0]  }
0x2: {  	s0 =	srdreg.scid;
	s2 =	rddreg [dreg:$0x1]  }
0x3: {  	s3 =	simm.s32 $0x0;
	s14 =	simm.s32 $0x16400;
	s15 =	simm.s32 $0x80  }
0x4: {  	s16 =	simm.s32 $0x18C00;
	s5 =	sand.u32 $0x1, s0;
	s0 =	stileid.u32  }
0x5: {  	s17 =	simm.s32 $0x1;
	s18 =	simm.s32 $0x0;
	s8 =	smul.u32 $0x13C00, s0  }
0x6: {  	[smem:$0x7FF] =	sst s3;
	s4 =	sadd.s32 $0x34C00, s6;
	s9 =	smul.u32 $0x13C000, s5  }
0x7: {  	s1 =	sshll.u32 s5, $0x4;
	s5 =	ssub.s32 $0x2, s5;
	s28 =	smul.u32 $0x4F000, s0  }
0x8: {  	s31 =	sshll.u32 s0, $0x6;
	s1 =	sor.u32 s0, s1;
	s29 =	sshrl.u32 s5, $0x1  }
0x9: {  	s7 =	smul.u32 $0x500, s1;
	s1 =	rddreg [dreg:$0x2];
	_ =	strace $0x8000004A  }
0xa: {  	s26 =	sshrl.u32 s8, $0x3;
	s8 =	sadd.s32 s8, s9;
	s30 =	sshrl.u32 s28, $0x2  }
0xb: {  	s12 =	ssub.s32 s5, s29;
	s8 =	sshrl.u32 s8, $0x3;
	s13 =	sadd.s32 s30, s2  }
0xc: {  	s10 =	sadd.s32 s7, s6;
	s7 =	sadd.s32 s26, s6;
	s11 =	sadd.s32 s8, s6  }
0xd: {  	s6 =	sor.u32 $0x1C02, s31;
	s5 =	sadd.s32 $0xD400, s7;
	s7 =	sadd.s32 $0x84400, s10  }
0xe: {  	s8 =	sadd.s32 $0x3400, s10;
	s9 =	sadd.s32 $0x8E400, s11;
	s10 =	smax.u32 s12, $0x1  }
0xf: {  	s11 =	sshrl.u32 s13, $0x3;
	s12 =	simm.s32 $0x2;
	s13 =	simm.s32 $0x13C00  }
.LBB2_1:
0x10: {  	[spmem:s11], [sflag:s6] =	dma.local [hbm:s5], $0x2780  }
0x11: {  	_ =	swait.ge [sflag:s12], $0x2780  }
0x12: {  	[sflag:s12] =	ssyncset.done $0x0  }
0x13: {  	[sflag:s12] =	ssyncadd.s32 $0xFFFFD880  }
0x14: {  	[tilespmem:s13], [sflag:$0x2] =	stream.linear.gather [hbm4b:s7+s3], $0x2780, $0x38;
	[tilespmem:$0x1CC00] =	vst v63  }
0x15: {  	_ =	swait.ge [sflag:s12], $0x2780  }
0x16: {  	[sflag:s12] =	ssyncset.done $0x0  }
0x17: {  	[sflag:s12] =	ssyncadd.s32 $0xFFFFD880  }
0x18: {  	[tilespmem:s14], [sflag:$0x2] =	stream.linear.gather [hbm4b:s8+s3], $0x2780, $0x38;
	[tilespmem:$0x1CC00] =	vst v63  }
0x19: {  	_ =	swait.ge [sflag:s12], $0x2780  }
0x1a: {  	[sflag:s12] =	ssyncset.done $0x0  }
0x1b: {  	[sflag:s12] =	ssyncadd.s32 $0xFFFFD880  }
0x1c: {  	s19 =	simm.s32 $0x13C00;
	[bflag:$0x0] =	sbarrier.arrive $0xFFFF  }
0x1d: {  	[tilespmem:s16], [sflag:$0x1] =	stream.indirect.gather [hbm4b:s4+s15], $0x80, s19, s15, $0xb8;
	[tilespmem:$0x1CC00] =	vst v63  }
0x1e: {  	_ =	swait.ge [sflag:s17], $0x4000  }
0x1f: {  	[sflag:s17] =	ssyncset.done $0x0  }
0x20: {  	s31 =	simm.s32 $0x16400;
	[sflag:s17] =	ssyncadd.s32 $0xFFFFC000  }
0x21: {  	[spmem:s2] =	stream.indirect.scatter.add.f32 [tilespmem:s16], [sflag:$0x2], $0x80, s31, s15, $0xb8;
	[tilespmem:$0x1CC00] =	vst v63  }
0x22: {  	_ =	swait.ge [sflag:s12], $0x4000  }
0x23: {  	s20 =	simm.s32 $0x400;
	s19 =	simm.s32 $0x80;
	[sflag:s12] =	ssyncset.done $0x0  }
.LBB2_2:
0x24: {  	s21 =	sadd.s32 $0x13C00, s19  }
0x25: {  	[sflag:s12] =	ssyncadd.s32 $0xFFFFC000;
	s22 =	smov.u32 s20;
	s23 =	sadd.s32 $0x200, s20  }
0x26: {  	[tilespmem:s16], [sflag:$0x1] =	stream.indirect.gather [hbm4b:s4+s15], $0x80, s21, s15, $0xb8;
	[tilespmem:$0x1CC00] =	vst v63  }
0x27: {  	p0 =	sne.s32 s20, $0x9C00;
	_ =	swait.ge [sflag:s17], $0x4000  }
.Ltmp0:
0x28: {  	[sflag:s17] =	ssyncset.done $0x0;
	(pc) =	sbr.rel @p0 .LBB2_2-.Ltmp0, $4  }
0x29: {  	s19 =	sadd.s32 $0x16400, s19;
	[sflag:s17] =	ssyncadd.s32 $0xFFFFC000  }
0x2a: {  	[spmem:s2] =	stream.indirect.scatter.add.f32 [tilespmem:s16], [sflag:$0x2], $0x80, s19, s15, $0xb8;
	[tilespmem:$0x1CC00] =	vst v63  }
0x2b: {  	_ =	swait.ge [sflag:s12], $0x4000  }
0x2c: {  	s20 =	smov.u32 s23;
	s19 =	sshra.s32 s22, $0x2;
	[sflag:s12] =	ssyncset.done $0x0  }
0x2d: {  	s20 =	sadd.s32 $0x13C00, s19;
	[sflag:s12] =	ssyncadd.s32 $0xFFFFC000  }
0x2e: {  	[tilespmem:s16], [sflag:$0x1] =	stream.indirect.gather [hbm4b:s4+s15], $0x80, s20, s15, $0xb8;
	[tilespmem:$0x1CC00] =	vst v63  }
0x2f: {  	_ =	swait.ge [sflag:s17], $0x4000  }
0x30: {  	[sflag:s17] =	ssyncset.done $0x0  }
0x31: {  	s31 =	sadd.s32 $0x16400, s19;
	[sflag:s17] =	ssyncadd.s32 $0xFFFFC000  }
0x32: {  	[spmem:s2] =	stream.indirect.scatter.add.f32 [tilespmem:s16], [sflag:$0x2], $0x80, s31, s15, $0xb8;
	[tilespmem:$0x1CC00] =	vst v63  }
0x33: {  	_ =	swait.ge [sflag:s12], $0x4000  }
0x34: {  	s18 =	sadd.s32 $0x1, s18;
	[sflag:s12] =	ssyncset.done $0x0  }
0x35: {  	p0 =	sne.s32 s18, s10;
	[sflag:s12] =	ssyncadd.s32 $0xFFFFC000  }
.Ltmp1:
0x36: {  	[bflag:$0x0] =	sbarrier.arrive $0xFFFF;
	(pc) =	sbr.rel @p0 .LBB2_1-.Ltmp1, $4  }
0x37: {  	[hbm:s9], [sflag:s6] =	dma.local [spmem:s11], $0x2780  }
0x38: {  	_ =	swait.ge [sflag:s12], $0x2780  }
0x39: {  	[sflag:s12] =	ssyncset.done $0x0  }
0x3a: {  	[sflag:s12] =	ssyncadd.s32 $0xFFFFD880  }
0x3b: {  	_ =	sfence.sel $0x180000  }
0x3c: {  	[bflag:$0x0] =	sbarrier.arrive $0xFFFF  }
0x3d: {  	p0 =	sne.s32 s0, $0x0;
	_ =	strace $0x9000004A  }
0x3e: {  	s0 =	sadd.s32 @!p0 $0x100000, s1;
	[bflag:$0x2] =	sbarrier.arrive $0xFFFF  }
0x3f: {  	[sflag:s0] =	ssyncadd.tile.s32 @!p0 $0x1;
	_ =	shalt  }
.Lfunc_end2:
_tile_overlayer_lowered:
.L_overlay_start_2:
0x40: {  	(tag) =	ssettag $0x2  }
0x41: {  	s0 =	rddreg [dreg:$0x0];
	s2 =	stileid.u32  }
0x42: {  	s1 =	rddreg [dreg:$0x1];
	p0 =	sne.s32 s2, $0x0  }
0x43: {  	s3 =	rddreg [dreg:$0x2];
	[bflag:$0x3] =	sbarrier.arrive $0xFFFF;
	s2 =	simm.s32 @!p0 $0x1C02  }
0x44: {  	[timem:s3], [sflag:s2] =	dma.local @!p0 [hbm:s0], s1  }
0x45: {  	s0 =	simm.s32 @!p0 $0x2  }
0x46: {  	_ =	swait.ge @!p0 [sflag:s0], s1  }
0x47: {  	s1 =	ssub.s32 @!p0 $0x0, s1;
	[sflag:s0] =	ssyncset.done @!p0 $0x0  }
0x48: {  	[sflag:s0] =	ssyncadd.s32 @!p0 s1  }
0x49: {  	[bflag:$0x3] =	sbarrier.arrive $0xFFFF  }
0x4a: {  	_ =	shalt  }

// kernel: kernel.16.cloned.1.call-start
scs
__scs_entry_jumppad:
0x0: {  	(pc) =	sbr.rel $0x88, $3  }
0x1: {  	(tag) =	ssettag $0x0;
	lr =	simm.s32 $0x1  }
0x2: {  	[smem:$0x3F94] =	sst lr;
	_ =	strace $0xD0000000  }
0x3: {  	_ = 	snop  }
0x4: {  	_ = 	snop  }
0x5: {  	_ = 	snop  }
0x6: {  	_ = 	snop  }
0x7: {  	_ = 	snop  }
__scs_overlays_trampoline_lowered:
0x8: {  	[smem:$0x3FA3] =	sst s0  }
0x9: {  	[smem:$0x3FA4] =	sst s1  }
0xa: {  	[smem:$0x3FA5] =	sst s2  }
0xb: {  	[smem:$0x3FA6] =	sst s3  }
0xc: {  	[smem:$0x3FA7] =	sst s4  }
0xd: {  	[smem:$0x3FA8] =	sst s5  }
0xe: {  	[smem:$0x3FA9] =	sst s6  }
0xf: {  	[smem:$0x3FAA] =	sst s7  }
0x10: {  	[smem:$0x3FAB] =	sst s8  }
0x11: {  	[smem:$0x3FAC] =	sst s9;
	s0 =	simm.s32 @!p0 $0x0  }
0x12: {  	s1 =	sld [smem:$0x3F92];
	s0 =	simm.s32 @p0 $0x1  }
0x13: {  	[smem:$0x3FAD] =	sst s0;
	s0 =	simm.s32 @!p1 $0x0  }
0x14: {  	s2 =	sld [smem:$0x3F91];
	s0 =	simm.s32 @p1 $0x1  }
0x15: {  	[smem:$0x3FAE] =	sst s0;
	s0 =	simm.s32 @!p2 $0x0  }
0x16: {  	s3 =	sld [smem:$0x3FDB];
	s0 =	simm.s32 @p2 $0x1  }
0x17: {  	s4 =	simm.s32 $0x1BF5;
	[smem:$0x3FB0] =	sst s0  }
0x18: {  	s0 =	sld [smem:$0x3F93];
	_ =	swait.ge [sflag:s4], $0x0  }
0x19: {  	s7 =	sld [smem:$0x3F94]  }
0x1a: {  	s8 =	sadd.s32 $0xFFFFE003, lr  }
0x1b: {  	s9 =	sadd.s32 $0xFFFFFEF7, lr;
	s5 =	simm.s32 $0xFFFFFFFF;
	p2 =	slt.u32 s8, $0xFFFFF086  }
0x1c: {  	p1 =	slt.u32 s9, $0xF7A;
	s5 =	simm.s32 @!p2 $0x0  }
0x1d: {  	s5 =	simm.s32 @p1 $0x1;
	p0 =	seq.s32 s7, s2  }
0x1e: {  	s7 =	smul.u32 @!p0 $0xF7A, s2;
	p2 =	seq.s32 @!p0 s5, $0x0  }
0x1f: {  	s9 =	smul.u32 $0xF7A, s1;
	s8 =	simm.s32 @!p0 $0x1BF5;
	p2 =	por !p2, p0  }
0x20: {  	[sflag:s8] =	ssyncset.s32 @!p0 $0xFFFFF086;
	s6 =	sadd.s32 @!p0 s3, s7;
	s7 =	simm.s32 @!p0 $0x108  }
0x21: {  	s3 =	sadd.s32 s3, s9;
	s6 =	sadd.s32 @!p0 $0x88, s6;
	s7 =	simm.s32 @p2 $0x1082  }
0x22: {  	[simem:s7], [sflag:s8] =	dma.local @!p0 [hbm:s6], $0xF7A  }
0x23: {  	s9 =	sor.u32 $0xD0000000, s2;
	s6 =	simm.s32 $0x108;
	_ =	swait.ge @!p0 [sflag:s8], $0x0  }
0x24: {  	s3 =	sadd.s32 $0x88, s3;
	s6 =	simm.s32 @!p1 $0x1082;
	[sflag:s4] =	ssyncset.s32 $0xFFFFF086  }
0x25: {  	[simem:s6], [sflag:s4] =	dma.local [hbm:s3], $0xF7A  }
0x26: {  	[smem:$0x3F94] =	sst s1;
	(tag) =	ssettag s2;
	_ =	strace s9  }
0x27: {  	s1 =	sld [smem:$0x3FA4]  }
0x28: {  	s2 =	sld [smem:$0x3FA5]  }
0x29: {  	s4 =	sld [smem:$0x3FA7]  }
0x2a: {  	p0 =	seq.s32 s5, $0x0;
	s5 =	sld [smem:$0x3FA8]  }
0x2b: {  	s6 =	sld [smem:$0x3FA9]  }
0x2c: {  	s7 =	sld [smem:$0x3FAA]  }
0x2d: {  	s3 =	simm.s32 $0x108;
	s8 =	sld [smem:$0x3FAB]  }
0x2e: {  	s3 =	simm.s32 @!p0 $0x1082;
	s9 =	sld [smem:$0x3FAC]  }
0x2f: {  	lr =	sadd.s32 s0, s3;
	s0 =	sld [smem:$0x3FA3]  }
0x30: {  	s3 =	sld [smem:$0x3FA6]  }
0x31: {  	[smem:$0x3FAF] =	sst s10  }
0x32: {  	s10 =	sld [smem:$0x3FAD];
	_ =	sdelay $0x3  }
0x33: {  	p0 =	seq.s32 s10, $0x1;
	s10 =	sld [smem:$0x3FAF];
	_ =	sdelay $0x3  }
0x34: {  	[smem:$0x3FAF] =	sst s10  }
0x35: {  	s10 =	sld [smem:$0x3FAE];
	_ =	sdelay $0x3  }
0x36: {  	p1 =	seq.s32 s10, $0x1;
	s10 =	sld [smem:$0x3FAF];
	_ =	sdelay $0x3  }
0x37: {  	[smem:$0x3FAF] =	sst s10  }
0x38: {  	s10 =	sld [smem:$0x3FB0]  }
0x39: {  	_ = 	snop;
	(pc) =	sbr.ind lr, $3  }
0x3a: {  	_ = 	snop  }
0x3b: {  	_ = 	snop  }
0x3c: {  	p2 =	seq.s32 s10, $0x1;
	s10 =	sld [smem:$0x3FAF]  }
0x3d: {  	_ =	shalt  }
0x3e: {  	_ =	shalt  }
0x3f: {  	_ =	shalt  }
0x40: {  	_ =	shalt  }
0x41: {  	_ =	shalt  }
0x42: {  	_ =	shalt  }
0x43: {  	_ =	shalt  }
0x44: {  	_ =	shalt  }
0x45: {  	_ =	shalt  }
0x46: {  	_ =	shalt  }
0x47: {  	_ =	shalt  }
0x48: {  	_ =	shalt  }
0x49: {  	_ =	shalt  }
0x4a: {  	_ =	shalt  }
0x4b: {  	_ =	shalt  }
0x4c: {  	_ =	shalt  }
0x4d: {  	_ =	shalt  }
0x4e: {  	_ =	shalt  }
0x4f: {  	_ =	shalt  }
0x50: {  	_ =	shalt  }
0x51: {  	_ =	shalt  }
0x52: {  	_ =	shalt  }
0x53: {  	_ =	shalt  }
0x54: {  	_ =	shalt  }
0x55: {  	_ =	shalt  }
0x56: {  	_ =	shalt  }
0x57: {  	_ =	shalt  }
0x58: {  	_ =	shalt  }
0x59: {  	_ =	shalt  }
0x5a: {  	_ =	shalt  }
0x5b: {  	_ =	shalt  }
0x5c: {  	_ =	shalt  }
0x5d: {  	_ =	shalt  }
0x5e: {  	_ =	shalt  }
0x5f: {  	_ =	shalt  }
0x60: {  	_ =	shalt  }
0x61: {  	_ =	shalt  }
0x62: {  	_ =	shalt  }
0x63: {  	_ =	shalt  }
0x64: {  	_ =	shalt  }
0x65: {  	_ =	shalt  }
0x66: {  	_ =	shalt  }
0x67: {  	_ =	shalt  }
0x68: {  	_ =	shalt  }
0x69: {  	_ =	shalt  }
0x6a: {  	_ =	shalt  }
0x6b: {  	_ =	shalt  }
0x6c: {  	_ =	shalt  }
0x6d: {  	_ =	shalt  }
0x6e: {  	_ =	shalt  }
0x6f: {  	_ =	shalt  }
0x70: {  	_ =	shalt  }
0x71: {  	_ =	shalt  }
0x72: {  	_ =	shalt  }
0x73: {  	_ =	shalt  }
0x74: {  	_ =	shalt  }
0x75: {  	_ =	shalt  }
0x76: {  	_ =	shalt  }
0x77: {  	_ =	shalt  }
0x78: {  	_ =	shalt  }
0x79: {  	_ =	shalt  }
0x7a: {  	_ =	shalt  }
0x7b: {  	_ =	shalt  }
0x7c: {  	_ =	shalt  }
0x7d: {  	_ =	shalt  }
0x7e: {  	_ =	shalt  }
0x7f: {  	_ =	shalt  }
0x80: {  	_ =	shalt  }
0x81: {  	_ =	shalt  }
0x82: {  	_ =	shalt  }
0x83: {  	_ =	shalt  }
0x84: {  	_ =	shalt  }
0x85: {  	_ =	shalt  }
0x86: {  	_ =	shalt  }
0x87: {  	_ =	shalt  }
.Lfunc_end0:
.L_simem_size_0:
called_computation.2_lowered:
.L_overlay_start_0:
0x88: {  	s2 =	sld [smem:$0x3FD9]  }
0x89: {  	s3 =	sld [smem:$0x3FFE];
	_ =	sdelay $0x1  }
0x8a: {  	s1 =	srdreg.scid  }
0x8b: {  	s0 =	sand.u32 $0x1, s1  }
0x8c: {  	s16 =	sshll.u32 s0, $0xA;
	s2 =	sadd.s32 s3, s2  }
0x8d: {  	s2 =	sadd.s32 s2, s16  }
0x8e: {  	[smem:$0x3FBB] =	sst s2  }
0x8f: {  	_ = 	snop  }
0x90: {  	(tm) =	ssettm $0x1  }
0x91: {  	s17 =	sld [smem:$0x3FFB];
	_ =	sdelay $0x3  }
0x92: {  	_ =	strace s17  }
0x93: {  	s2 =	sld [smem:$0x3FFC];
	_ =	sdelay $0x3  }
0x94: {  	_ =	strace s2  }
0x95: {  	s2 =	sld [smem:$0x3FFD];
	_ =	sdelay $0x3  }
0x96: {  	_ =	strace s2  }
0x97: {  	_ =	strace $0x8FFFFFFF  }
0x98: {  	s18 =	sld [smem:$0x3FDB];
	_ =	sdelay $0x1  }
0x99: {  	s19 =	simm.s32 $_scs_section_size  }
0x9a: {  	s4 =	simm.s32 $_size__tile_overlayer_lowered;
	s5 =	simm.s32 $_tile_overlayer_lowered  }
0x9b: {  	s22 =	simm.s32 $0x1BFF;
	s21 =	sshll.u32 s5, $0x1;
	s2 =	sadd.s32 s19, s18  }
0x9c: {  	s6 =	simm.s32 $0x0;
	s20 =	sshll.u32 s4, $0x1;
	s4 =	sadd.s32 s21, s2  }
0x9d: {  	[timem:s6], [sflag:s22] =	dma.local [hbm:s4], s20  }
0x9e: {  	_ =	swait.ge [sflag:s22], s20  }
0x9f: {  	s3 =	ssub.s32 $0x0, s20;
	[sflag:s22] =	ssyncset.done $0x0  }
0xa0: {  	[sflag:s22] =	ssyncadd.s32 s3;
	_ =	sdelay $0x1  }
0xa1: {  	s23 =	simm.s32 $0x1B8B  }
0xa2: {  	_ =	swait.ge [sflag:s23], $0x1  }
0xa3: {  	[sflag:s23] =	ssyncset.done $0x0  }
0xa4: {  	s25 =	simm.s32 $0x1B8E;
	s24 =	sld [smem:$0x3FFE];
	[sflag:s23] =	ssyncadd.s32 $0xFFFFFFFF  }
0xa5: {  	s26 =	simm.s32 $execute0_lowered;
	[smem:$0x3FD2] =	sst s25  }
0xa6: {  	s4 =	sshll.u32 s26, $0x1;
	_ =	strace $0x8000004C;
	[dreg:$0x1] =	wrdreg $0xFFFFFFFF  }
0xa7: {  	s28 =	simm.s32 $_size_execute0_lowered;
	s2 =	sadd.s32 s2, s4;
	[dreg:$0x0] =	wrdreg $0x0  }
0xa8: {  	s4 =	sshll.u32 s28, $0x1;
	[dreg:$0x2] =	wrdreg s2  }
0xa9: {  	[dreg:$0x3] =	wrdreg s4  }
0xaa: {  	[dreg:$0x4] =	wrdreg $0xC0  }
0xab: {  	_ =	task [dreg:s6], $0x5FFFF  }
0xac: {  	[dreg:$0x1] =	wrdreg $0xFFFFFFFF  }
0xad: {  	[dreg:$0x0] =	wrdreg $0x60  }
0xae: {  	[dreg:$0x2] =	wrdreg s24  }
0xaf: {  	[dreg:$0x3] =	wrdreg $0x0  }
0xb0: {  	[dreg:$0x4] =	wrdreg $0x9  }
0xb1: {  	_ =	task.clear_ibuf [dreg:s6], $0x5FFFF;
	_ =	strace $0x9000004C  }
0xb2: {  	s29 =	simm.s32 $0x9;
	_ =	strace $0x8000004E  }
0xb3: {  	_ =	swait.ge [sflag:s29], $0x1  }
0xb4: {  	[sflag:s29] =	ssyncadd.s32 $0xFFFFFFFF  }
0xb5: {  	_ =	strace $0x9000004E  }
0xb6: {  	_ =	sfence  }
0xb7: {  	s30 =	sld [smem:$0x0];
	_ =	sdelay $0x2  }
0xb8: {  	s31 =	sshll.u32 s1, $0xD;
	s1 =	sshrl.u32 s1, $0x2  }
0xb9: {  	s3 =	sand.u32 $0x4000, s31;
	s1 =	sadd.s32 s1, s30  }
0xba: {  	s0 =	sor.u32 s3, s0;
	s1 =	sshll.u32 s1, $0x11  }
0xbb: {  	s0 =	sor.u32 s1, s0  }
0xbc: {  	s0 =	sadd.s32 $0x8F2B, s0  }
0xbd: {  	[sflag:s0] =	ssyncadd.remote.s32 $0x1  }
0xbe: {  	_ =	sfence.sel $0xFFFF  }
0xbf: {  	[dreg:$0x0] =	wrdreg $0xFFFFFFFF;
	(pc) =	sbr.abs _section_cstart, $3  }
0xc0: {  	[dreg:$0x1] =	wrdreg $0xFFFFFFFF  }
0xc1: {  	_ =	task.clear_ibuf [dreg:s6], $0x2FFFF;
	_ =	strace $0x9FFFFFFF  }
0xc2: {  	(tm) =	ssettm $0x7FFFFFFF  }
0xc3: {  	_ =	shalt  }
tec
execute0_lowered:
.L_overlay_start_1:
0x0: {  	(tag) =	ssettag $0x1  }
0x1: {  	s6 =	rddreg [dreg:$0x0]  }
0x2: {  	s0 =	srdreg.scid;
	s2 =	rddreg [dreg:$0x1]  }
0x3: {  	s3 =	simm.s32 $0x0;
	s14 =	simm.s32 $0x16400;
	s15 =	simm.s32 $0x80  }
0x4: {  	s16 =	simm.s32 $0x18C00;
	s5 =	sand.u32 $0x1, s0;
	s0 =	stileid.u32  }
0x5: {  	s17 =	simm.s32 $0x1;
	s18 =	simm.s32 $0x0;
	s8 =	smul.u32 $0x13C00, s0  }
0x6: {  	[smem:$0x7FF] =	sst s3;
	s4 =	sadd.s32 $0x34C00, s6;
	s9 =	smul.u32 $0x13C000, s5  }
0x7: {  	s1 =	sshll.u32 s5, $0x4;
	s5 =	ssub.s32 $0x2, s5;
	s28 =	smul.u32 $0x4F000, s0  }
0x8: {  	s31 =	sshll.u32 s0, $0x6;
	s1 =	sor.u32 s0, s1;
	s29 =	sshrl.u32 s5, $0x1  }
0x9: {  	s7 =	smul.u32 $0x500, s1;
	s1 =	rddreg [dreg:$0x2];
	_ =	strace $0x8000004D  }
0xa: {  	s26 =	sshrl.u32 s8, $0x3;
	s8 =	sadd.s32 s8, s9;
	s30 =	sshrl.u32 s28, $0x2  }
0xb: {  	s12 =	ssub.s32 s5, s29;
	s8 =	sshrl.u32 s8, $0x3;
	s13 =	sadd.s32 s30, s2  }
0xc: {  	s10 =	sadd.s32 s7, s6;
	s7 =	sadd.s32 s26, s6;
	s11 =	sadd.s32 s8, s6  }
0xd: {  	s6 =	sor.u32 $0x1C02, s31;
	s5 =	sadd.s32 $0xD400, s7;
	s7 =	sadd.s32 $0x84400, s10  }
0xe: {  	s8 =	sadd.s32 $0x3400, s10;
	s9 =	sadd.s32 $0x8E400, s11;
	s10 =	smax.u32 s12, $0x1  }
0xf: {  	s11 =	sshrl.u32 s13, $0x3;
	s12 =	simm.s32 $0x2;
	s13 =	simm.s32 $0x13C00  }
.LBB2_1:
0x10: {  	[spmem:s11], [sflag:s6] =	dma.local [hbm:s5], $0x2780  }
0x11: {  	_ =	swait.ge [sflag:s12], $0x2780  }
0x12: {  	[sflag:s12] =	ssyncset.done $0x0  }
0x13: {  	[sflag:s12] =	ssyncadd.s32 $0xFFFFD880  }
0x14: {  	[tilespmem:s13], [sflag:$0x2] =	stream.linear.gather [hbm4b:s7+s3], $0x2780, $0x38;
	[tilespmem:$0x1CC00] =	vst v63  }
0x15: {  	_ =	swait.ge [sflag:s12], $0x2780  }
0x16: {  	[sflag:s12] =	ssyncset.done $0x0  }
0x17: {  	[sflag:s12] =	ssyncadd.s32 $0xFFFFD880  }
0x18: {  	[tilespmem:s14], [sflag:$0x2] =	stream.linear.gather [hbm4b:s8+s3], $0x2780, $0x38;
	[tilespmem:$0x1CC00] =	vst v63  }
0x19: {  	_ =	swait.ge [sflag:s12], $0x2780  }
0x1a: {  	[sflag:s12] =	ssyncset.done $0x0  }
0x1b: {  	[sflag:s12] =	ssyncadd.s32 $0xFFFFD880  }
0x1c: {  	s19 =	simm.s32 $0x13C00;
	[bflag:$0x0] =	sbarrier.arrive $0xFFFF  }
0x1d: {  	[tilespmem:s16], [sflag:$0x1] =	stream.indirect.gather [hbm4b:s4+s15], $0x80, s19, s15, $0xb8;
	[tilespmem:$0x1CC00] =	vst v63  }
0x1e: {  	_ =	swait.ge [sflag:s17], $0x4000  }
0x1f: {  	[sflag:s17] =	ssyncset.done $0x0  }
0x20: {  	s31 =	simm.s32 $0x16400;
	[sflag:s17] =	ssyncadd.s32 $0xFFFFC000  }
0x21: {  	[spmem:s2] =	stream.indirect.scatter.add.f32 [tilespmem:s16], [sflag:$0x2], $0x80, s31, s15, $0xb8;
	[tilespmem:$0x1CC00] =	vst v63  }
0x22: {  	_ =	swait.ge [sflag:s12], $0x4000  }
0x23: {  	s20 =	simm.s32 $0x400;
	s19 =	simm.s32 $0x80;
	[sflag:s12] =	ssyncset.done $0x0  }
.LBB2_2:
0x24: {  	s21 =	sadd.s32 $0x13C00, s19  }
0x25: {  	[sflag:s12] =	ssyncadd.s32 $0xFFFFC000;
	s22 =	smov.u32 s20;
	s23 =	sadd.s32 $0x200, s20  }
0x26: {  	[tilespmem:s16], [sflag:$0x1] =	stream.indirect.gather [hbm4b:s4+s15], $0x80, s21, s15, $0xb8;
	[tilespmem:$0x1CC00] =	vst v63  }
0x27: {  	p0 =	sne.s32 s20, $0x9C00;
	_ =	swait.ge [sflag:s17], $0x4000  }
.Ltmp0:
0x28: {  	[sflag:s17] =	ssyncset.done $0x0;
	(pc) =	sbr.rel @p0 .LBB2_2-.Ltmp0, $4  }
0x29: {  	s19 =	sadd.s32 $0x16400, s19;
	[sflag:s17] =	ssyncadd.s32 $0xFFFFC000  }
0x2a: {  	[spmem:s2] =	stream.indirect.scatter.add.f32 [tilespmem:s16], [sflag:$0x2], $0x80, s19, s15, $0xb8;
	[tilespmem:$0x1CC00] =	vst v63  }
0x2b: {  	_ =	swait.ge [sflag:s12], $0x4000  }
0x2c: {  	s20 =	smov.u32 s23;
	s19 =	sshra.s32 s22, $0x2;
	[sflag:s12] =	ssyncset.done $0x0  }
0x2d: {  	s20 =	sadd.s32 $0x13C00, s19;
	[sflag:s12] =	ssyncadd.s32 $0xFFFFC000  }
0x2e: {  	[tilespmem:s16], [sflag:$0x1] =	stream.indirect.gather [hbm4b:s4+s15], $0x80, s20, s15, $0xb8;
	[tilespmem:$0x1CC00] =	vst v63  }
0x2f: {  	_ =	swait.ge [sflag:s17], $0x4000  }
0x30: {  	[sflag:s17] =	ssyncset.done $0x0  }
0x31: {  	s31 =	sadd.s32 $0x16400, s19;
	[sflag:s17] =	ssyncadd.s32 $0xFFFFC000  }
0x32: {  	[spmem:s2] =	stream.indirect.scatter.add.f32 [tilespmem:s16], [sflag:$0x2], $0x80, s31, s15, $0xb8;
	[tilespmem:$0x1CC00] =	vst v63  }
0x33: {  	_ =	swait.ge [sflag:s12], $0x4000  }
0x34: {  	s18 =	sadd.s32 $0x1, s18;
	[sflag:s12] =	ssyncset.done $0x0  }
0x35: {  	p0 =	sne.s32 s18, s10;
	[sflag:s12] =	ssyncadd.s32 $0xFFFFC000  }
.Ltmp1:
0x36: {  	[bflag:$0x0] =	sbarrier.arrive $0xFFFF;
	(pc) =	sbr.rel @p0 .LBB2_1-.Ltmp1, $4  }
0x37: {  	[hbm:s9], [sflag:s6] =	dma.local [spmem:s11], $0x2780  }
0x38: {  	_ =	swait.ge [sflag:s12], $0x2780  }
0x39: {  	[sflag:s12] =	ssyncset.done $0x0  }
0x3a: {  	[sflag:s12] =	ssyncadd.s32 $0xFFFFD880  }
0x3b: {  	_ =	sfence.sel $0x180000  }
0x3c: {  	[bflag:$0x0] =	sbarrier.arrive $0xFFFF  }
0x3d: {  	p0 =	sne.s32 s0, $0x0;
	_ =	strace $0x9000004D  }
0x3e: {  	s0 =	sadd.s32 @!p0 $0x100000, s1;
	[bflag:$0x2] =	sbarrier.arrive $0xFFFF  }
0x3f: {  	[sflag:s0] =	ssyncadd.tile.s32 @!p0 $0x1;
	_ =	shalt  }
.Lfunc_end2:
_tile_overlayer_lowered:
.L_overlay_start_2:
0x40: {  	(tag) =	ssettag $0x2  }
0x41: {  	s0 =	rddreg [dreg:$0x0];
	s2 =	stileid.u32  }
0x42: {  	s1 =	rddreg [dreg:$0x1];
	p0 =	sne.s32 s2, $0x0  }
0x43: {  	s3 =	rddreg [dreg:$0x2];
	[bflag:$0x3] =	sbarrier.arrive $0xFFFF;
	s2 =	simm.s32 @!p0 $0x1C02  }
0x44: {  	[timem:s3], [sflag:s2] =	dma.local @!p0 [hbm:s0], s1  }
0x45: {  	s0 =	simm.s32 @!p0 $0x2  }
0x46: {  	_ =	swait.ge @!p0 [sflag:s0], s1  }
0x47: {  	s1 =	ssub.s32 @!p0 $0x0, s1;
	[sflag:s0] =	ssyncset.done @!p0 $0x0  }
0x48: {  	[sflag:s0] =	ssyncadd.s32 @!p0 s1  }
0x49: {  	[bflag:$0x3] =	sbarrier.arrive $0xFFFF  }
0x4a: {  	_ =	shalt  }

// kernel: kernel.19.cloned.1.call-start
scs
__scs_entry_jumppad:
0x0: {  	(pc) =	sbr.rel $0x88, $3  }
0x1: {  	(tag) =	ssettag $0x0;
	lr =	simm.s32 $0x1  }
0x2: {  	[smem:$0x3F94] =	sst lr;
	_ =	strace $0xD0000000  }
0x3: {  	_ = 	snop  }
0x4: {  	_ = 	snop  }
0x5: {  	_ = 	snop  }
0x6: {  	_ = 	snop  }
0x7: {  	_ = 	snop  }
__scs_overlays_trampoline_lowered:
0x8: {  	[smem:$0x3FA3] =	sst s0  }
0x9: {  	[smem:$0x3FA4] =	sst s1  }
0xa: {  	[smem:$0x3FA5] =	sst s2  }
0xb: {  	[smem:$0x3FA6] =	sst s3  }
0xc: {  	[smem:$0x3FA7] =	sst s4  }
0xd: {  	[smem:$0x3FA8] =	sst s5  }
0xe: {  	[smem:$0x3FA9] =	sst s6  }
0xf: {  	[smem:$0x3FAA] =	sst s7  }
0x10: {  	[smem:$0x3FAB] =	sst s8  }
0x11: {  	[smem:$0x3FAC] =	sst s9;
	s0 =	simm.s32 @!p0 $0x0  }
0x12: {  	s1 =	sld [smem:$0x3F92];
	s0 =	simm.s32 @p0 $0x1  }
0x13: {  	[smem:$0x3FAD] =	sst s0;
	s0 =	simm.s32 @!p1 $0x0  }
0x14: {  	s2 =	sld [smem:$0x3F91];
	s0 =	simm.s32 @p1 $0x1  }
0x15: {  	[smem:$0x3FAE] =	sst s0;
	s0 =	simm.s32 @!p2 $0x0  }
0x16: {  	s3 =	sld [smem:$0x3FDB];
	s0 =	simm.s32 @p2 $0x1  }
0x17: {  	s4 =	simm.s32 $0x1BF5;
	[smem:$0x3FB0] =	sst s0  }
0x18: {  	s0 =	sld [smem:$0x3F93];
	_ =	swait.ge [sflag:s4], $0x0  }
0x19: {  	s7 =	sld [smem:$0x3F94]  }
0x1a: {  	s8 =	sadd.s32 $0xFFFFE003, lr  }
0x1b: {  	s9 =	sadd.s32 $0xFFFFFEF7, lr;
	s5 =	simm.s32 $0xFFFFFFFF;
	p2 =	slt.u32 s8, $0xFFFFF086  }
0x1c: {  	p1 =	slt.u32 s9, $0xF7A;
	s5 =	simm.s32 @!p2 $0x0  }
0x1d: {  	s5 =	simm.s32 @p1 $0x1;
	p0 =	seq.s32 s7, s2  }
0x1e: {  	s7 =	smul.u32 @!p0 $0xF7A, s2;
	p2 =	seq.s32 @!p0 s5, $0x0  }
0x1f: {  	s9 =	smul.u32 $0xF7A, s1;
	s8 =	simm.s32 @!p0 $0x1BF5;
	p2 =	por !p2, p0  }
0x20: {  	[sflag:s8] =	ssyncset.s32 @!p0 $0xFFFFF086;
	s6 =	sadd.s32 @!p0 s3, s7;
	s7 =	simm.s32 @!p0 $0x108  }
0x21: {  	s3 =	sadd.s32 s3, s9;
	s6 =	sadd.s32 @!p0 $0x88, s6;
	s7 =	simm.s32 @p2 $0x1082  }
0x22: {  	[simem:s7], [sflag:s8] =	dma.local @!p0 [hbm:s6], $0xF7A  }
0x23: {  	s9 =	sor.u32 $0xD0000000, s2;
	s6 =	simm.s32 $0x108;
	_ =	swait.ge @!p0 [sflag:s8], $0x0  }
0x24: {  	s3 =	sadd.s32 $0x88, s3;
	s6 =	simm.s32 @!p1 $0x1082;
	[sflag:s4] =	ssyncset.s32 $0xFFFFF086  }
0x25: {  	[simem:s6], [sflag:s4] =	dma.local [hbm:s3], $0xF7A  }
0x26: {  	[smem:$0x3F94] =	sst s1;
	(tag) =	ssettag s2;
	_ =	strace s9  }
0x27: {  	s1 =	sld [smem:$0x3FA4]  }
0x28: {  	s2 =	sld [smem:$0x3FA5]  }
0x29: {  	s4 =	sld [smem:$0x3FA7]  }
0x2a: {  	p0 =	seq.s32 s5, $0x0;
	s5 =	sld [smem:$0x3FA8]  }
0x2b: {  	s6 =	sld [smem:$0x3FA9]  }
0x2c: {  	s7 =	sld [smem:$0x3FAA]  }
0x2d: {  	s3 =	simm.s32 $0x108;
	s8 =	sld [smem:$0x3FAB]  }
0x2e: {  	s3 =	simm.s32 @!p0 $0x1082;
	s9 =	sld [smem:$0x3FAC]  }
0x2f: {  	lr =	sadd.s32 s0, s3;
	s0 =	sld [smem:$0x3FA3]  }
0x30: {  	s3 =	sld [smem:$0x3FA6]  }
0x31: {  	[smem:$0x3FAF] =	sst s10  }
0x32: {  	s10 =	sld [smem:$0x3FAD];
	_ =	sdelay $0x3  }
0x33: {  	p0 =	seq.s32 s10, $0x1;
	s10 =	sld [smem:$0x3FAF];
	_ =	sdelay $0x3  }
0x34: {  	[smem:$0x3FAF] =	sst s10  }
0x35: {  	s10 =	sld [smem:$0x3FAE];
	_ =	sdelay $0x3  }
0x36: {  	p1 =	seq.s32 s10, $0x1;
	s10 =	sld [smem:$0x3FAF];
	_ =	sdelay $0x3  }
0x37: {  	[smem:$0x3FAF] =	sst s10  }
0x38: {  	s10 =	sld [smem:$0x3FB0]  }
0x39: {  	_ = 	snop;
	(pc) =	sbr.ind lr, $3  }
0x3a: {  	_ = 	snop  }
0x3b: {  	_ = 	snop  }
0x3c: {  	p2 =	seq.s32 s10, $0x1;
	s10 =	sld [smem:$0x3FAF]  }
0x3d: {  	_ =	shalt  }
0x3e: {  	_ =	shalt  }
0x3f: {  	_ =	shalt  }
0x40: {  	_ =	shalt  }
0x41: {  	_ =	shalt  }
0x42: {  	_ =	shalt  }
0x43: {  	_ =	shalt  }
0x44: {  	_ =	shalt  }
0x45: {  	_ =	shalt  }
0x46: {  	_ =	shalt  }
0x47: {  	_ =	shalt  }
0x48: {  	_ =	shalt  }
0x49: {  	_ =	shalt  }
0x4a: {  	_ =	shalt  }
0x4b: {  	_ =	shalt  }
0x4c: {  	_ =	shalt  }
0x4d: {  	_ =	shalt  }
0x4e: {  	_ =	shalt  }
0x4f: {  	_ =	shalt  }
0x50: {  	_ =	shalt  }
0x51: {  	_ =	shalt  }
0x52: {  	_ =	shalt  }
0x53: {  	_ =	shalt  }
0x54: {  	_ =	shalt  }
0x55: {  	_ =	shalt  }
0x56: {  	_ =	shalt  }
0x57: {  	_ =	shalt  }
0x58: {  	_ =	shalt  }
0x59: {  	_ =	shalt  }
0x5a: {  	_ =	shalt  }
0x5b: {  	_ =	shalt  }
0x5c: {  	_ =	shalt  }
0x5d: {  	_ =	shalt  }
0x5e: {  	_ =	shalt  }
0x5f: {  	_ =	shalt  }
0x60: {  	_ =	shalt  }
0x61: {  	_ =	shalt  }
0x62: {  	_ =	shalt  }
0x63: {  	_ =	shalt  }
0x64: {  	_ =	shalt  }
0x65: {  	_ =	shalt  }
0x66: {  	_ =	shalt  }
0x67: {  	_ =	shalt  }
0x68: {  	_ =	shalt  }
0x69: {  	_ =	shalt  }
0x6a: {  	_ =	shalt  }
0x6b: {  	_ =	shalt  }
0x6c: {  	_ =	shalt  }
0x6d: {  	_ =	shalt  }
0x6e: {  	_ =	shalt  }
0x6f: {  	_ =	shalt  }
0x70: {  	_ =	shalt  }
0x71: {  	_ =	shalt  }
0x72: {  	_ =	shalt  }
0x73: {  	_ =	shalt  }
0x74: {  	_ =	shalt  }
0x75: {  	_ =	shalt  }
0x76: {  	_ =	shalt  }
0x77: {  	_ =	shalt  }
0x78: {  	_ =	shalt  }
0x79: {  	_ =	shalt  }
0x7a: {  	_ =	shalt  }
0x7b: {  	_ =	shalt  }
0x7c: {  	_ =	shalt  }
0x7d: {  	_ =	shalt  }
0x7e: {  	_ =	shalt  }
0x7f: {  	_ =	shalt  }
0x80: {  	_ =	shalt  }
0x81: {  	_ =	shalt  }
0x82: {  	_ =	shalt  }
0x83: {  	_ =	shalt  }
0x84: {  	_ =	shalt  }
0x85: {  	_ =	shalt  }
0x86: {  	_ =	shalt  }
0x87: {  	_ =	shalt  }
.Lfunc_end0:
.L_simem_size_0:
called_computation.3_lowered:
.L_overlay_start_0:
0x88: {  	s2 =	sld [smem:$0x3FD9]  }
0x89: {  	s3 =	sld [smem:$0x3FFE];
	_ =	sdelay $0x1  }
0x8a: {  	s1 =	srdreg.scid  }
0x8b: {  	s0 =	sand.u32 $0x1, s1  }
0x8c: {  	s16 =	sshll.u32 s0, $0xA;
	s2 =	sadd.s32 s3, s2  }
0x8d: {  	s2 =	sadd.s32 s2, s16  }
0x8e: {  	[smem:$0x3FBB] =	sst s2  }
0x8f: {  	_ = 	snop  }
0x90: {  	(tm) =	ssettm $0x1  }
0x91: {  	s17 =	sld [smem:$0x3FFB];
	_ =	sdelay $0x3  }
0x92: {  	_ =	strace s17  }
0x93: {  	s2 =	sld [smem:$0x3FFC];
	_ =	sdelay $0x3  }
0x94: {  	_ =	strace s2  }
0x95: {  	s2 =	sld [smem:$0x3FFD];
	_ =	sdelay $0x3  }
0x96: {  	_ =	strace s2  }
0x97: {  	_ =	strace $0x8FFFFFFF  }
0x98: {  	s18 =	sld [smem:$0x3FDB];
	_ =	sdelay $0x1  }
0x99: {  	s19 =	simm.s32 $_scs_section_size  }
0x9a: {  	s4 =	simm.s32 $_size__tile_overlayer_lowered;
	s5 =	simm.s32 $_tile_overlayer_lowered  }
0x9b: {  	s22 =	simm.s32 $0x1BFF;
	s21 =	sshll.u32 s5, $0x1;
	s2 =	sadd.s32 s19, s18  }
0x9c: {  	s6 =	simm.s32 $0x0;
	s20 =	sshll.u32 s4, $0x1;
	s4 =	sadd.s32 s21, s2  }
0x9d: {  	[timem:s6], [sflag:s22] =	dma.local [hbm:s4], s20  }
0x9e: {  	_ =	swait.ge [sflag:s22], s20  }
0x9f: {  	s3 =	ssub.s32 $0x0, s20;
	[sflag:s22] =	ssyncset.done $0x0  }
0xa0: {  	[sflag:s22] =	ssyncadd.s32 s3;
	_ =	sdelay $0x1  }
0xa1: {  	s23 =	simm.s32 $0x1B8B  }
0xa2: {  	_ =	swait.ge [sflag:s23], $0x1  }
0xa3: {  	[sflag:s23] =	ssyncset.done $0x0  }
0xa4: {  	s25 =	simm.s32 $0x1B8E;
	s24 =	sld [smem:$0x3FFE];
	[sflag:s23] =	ssyncadd.s32 $0xFFFFFFFF  }
0xa5: {  	s26 =	simm.s32 $execute0_lowered;
	[smem:$0x3FD2] =	sst s25  }
0xa6: {  	s4 =	sshll.u32 s26, $0x1;
	_ =	strace $0x8000004F;
	[dreg:$0x1] =	wrdreg $0xFFFFFFFF  }
0xa7: {  	s28 =	simm.s32 $_size_execute0_lowered;
	s2 =	sadd.s32 s2, s4;
	[dreg:$0x0] =	wrdreg $0x0  }
0xa8: {  	s4 =	sshll.u32 s28, $0x1;
	[dreg:$0x2] =	wrdreg s2  }
0xa9: {  	[dreg:$0x3] =	wrdreg s4  }
0xaa: {  	[dreg:$0x4] =	wrdreg $0xC0  }
0xab: {  	_ =	task [dreg:s6], $0x5FFFF  }
0xac: {  	[dreg:$0x1] =	wrdreg $0xFFFFFFFF  }
0xad: {  	[dreg:$0x0] =	wrdreg $0x60  }
0xae: {  	[dreg:$0x2] =	wrdreg s24  }
0xaf: {  	[dreg:$0x3] =	wrdreg $0x0  }
0xb0: {  	[dreg:$0x4] =	wrdreg $0x9  }
0xb1: {  	_ =	task.clear_ibuf [dreg:s6], $0x5FFFF;
	_ =	strace $0x9000004F  }
0xb2: {  	s29 =	simm.s32 $0x9;
	_ =	strace $0x80000051  }
0xb3: {  	_ =	swait.ge [sflag:s29], $0x1  }
0xb4: {  	[sflag:s29] =	ssyncadd.s32 $0xFFFFFFFF  }
0xb5: {  	_ =	strace $0x90000051  }
0xb6: {  	_ =	sfence  }
0xb7: {  	s30 =	sld [smem:$0x0];
	_ =	sdelay $0x2  }
0xb8: {  	s31 =	sshll.u32 s1, $0xD;
	s1 =	sshrl.u32 s1, $0x2  }
0xb9: {  	s3 =	sand.u32 $0x4000, s31;
	s1 =	sadd.s32 s1, s30  }
0xba: {  	s0 =	sor.u32 s3, s0;
	s1 =	sshll.u32 s1, $0x11  }
0xbb: {  	s0 =	sor.u32 s1, s0  }
0xbc: {  	s0 =	sadd.s32 $0x8F2B, s0  }
0xbd: {  	[sflag:s0] =	ssyncadd.remote.s32 $0x1  }
0xbe: {  	_ =	sfence.sel $0xFFFF  }
0xbf: {  	[dreg:$0x0] =	wrdreg $0xFFFFFFFF;
	(pc) =	sbr.abs _section_cstart, $3  }
0xc0: {  	[dreg:$0x1] =	wrdreg $0xFFFFFFFF  }
0xc1: {  	_ =	task.clear_ibuf [dreg:s6], $0x2FFFF;
	_ =	strace $0x9FFFFFFF  }
0xc2: {  	(tm) =	ssettm $0x7FFFFFFF  }
0xc3: {  	_ =	shalt  }
tec
execute0_lowered:
.L_overlay_start_1:
0x0: {  	(tag) =	ssettag $0x1  }
0x1: {  	s6 =	rddreg [dreg:$0x0]  }
0x2: {  	s0 =	srdreg.scid;
	s2 =	rddreg [dreg:$0x1]  }
0x3: {  	s3 =	simm.s32 $0x0;
	s14 =	simm.s32 $0x16400;
	s15 =	simm.s32 $0x80  }
0x4: {  	s16 =	simm.s32 $0x18C00;
	s5 =	sand.u32 $0x1, s0;
	s0 =	stileid.u32  }
0x5: {  	s17 =	simm.s32 $0x1;
	s18 =	simm.s32 $0x0;
	s8 =	smul.u32 $0x13C00, s0  }
0x6: {  	[smem:$0x7FF] =	sst s3;
	s4 =	sadd.s32 $0x34C00, s6;
	s9 =	smul.u32 $0x13C000, s5  }
0x7: {  	s1 =	sshll.u32 s5, $0x4;
	s5 =	ssub.s32 $0x2, s5;
	s28 =	smul.u32 $0x4F000, s0  }
0x8: {  	s31 =	sshll.u32 s0, $0x6;
	s1 =	sor.u32 s0, s1;
	s29 =	sshrl.u32 s5, $0x1  }
0x9: {  	s7 =	smul.u32 $0x500, s1;
	s1 =	rddreg [dreg:$0x2];
	_ =	strace $0x80000050  }
0xa: {  	s26 =	sshrl.u32 s8, $0x3;
	s8 =	sadd.s32 s8, s9;
	s30 =	sshrl.u32 s28, $0x2  }
0xb: {  	s12 =	ssub.s32 s5, s29;
	s8 =	sshrl.u32 s8, $0x3;
	s13 =	sadd.s32 s30, s2  }
0xc: {  	s10 =	sadd.s32 s7, s6;
	s7 =	sadd.s32 s26, s6;
	s11 =	sadd.s32 s8, s6  }
0xd: {  	s6 =	sor.u32 $0x1C02, s31;
	s5 =	sadd.s32 $0xD400, s7;
	s7 =	sadd.s32 $0x84400, s10  }
0xe: {  	s8 =	sadd.s32 $0x3400, s10;
	s9 =	sadd.s32 $0x8E400, s11;
	s10 =	smax.u32 s12, $0x1  }
0xf: {  	s11 =	sshrl.u32 s13, $0x3;
	s12 =	simm.s32 $0x2;
	s13 =	simm.s32 $0x13C00  }
.LBB2_1:
0x10: {  	[spmem:s11], [sflag:s6] =	dma.local [hbm:s5], $0x2780  }
0x11: {  	_ =	swait.ge [sflag:s12], $0x2780  }
0x12: {  	[sflag:s12] =	ssyncset.done $0x0  }
0x13: {  	[sflag:s12] =	ssyncadd.s32 $0xFFFFD880  }
0x14: {  	[tilespmem:s13], [sflag:$0x2] =	stream.linear.gather [hbm4b:s7+s3], $0x2780, $0x38;
	[tilespmem:$0x1CC00] =	vst v63  }
0x15: {  	_ =	swait.ge [sflag:s12], $0x2780  }
0x16: {  	[sflag:s12] =	ssyncset.done $0x0  }
0x17: {  	[sflag:s12] =	ssyncadd.s32 $0xFFFFD880  }
0x18: {  	[tilespmem:s14], [sflag:$0x2] =	stream.linear.gather [hbm4b:s8+s3], $0x2780, $0x38;
	[tilespmem:$0x1CC00] =	vst v63  }
0x19: {  	_ =	swait.ge [sflag:s12], $0x2780  }
0x1a: {  	[sflag:s12] =	ssyncset.done $0x0  }
0x1b: {  	[sflag:s12] =	ssyncadd.s32 $0xFFFFD880  }
0x1c: {  	s19 =	simm.s32 $0x13C00;
	[bflag:$0x0] =	sbarrier.arrive $0xFFFF  }
0x1d: {  	[tilespmem:s16], [sflag:$0x1] =	stream.indirect.gather [hbm4b:s4+s15], $0x80, s19, s15, $0xb8;
	[tilespmem:$0x1CC00] =	vst v63  }
0x1e: {  	_ =	swait.ge [sflag:s17], $0x4000  }
0x1f: {  	[sflag:s17] =	ssyncset.done $0x0  }
0x20: {  	s31 =	simm.s32 $0x16400;
	[sflag:s17] =	ssyncadd.s32 $0xFFFFC000  }
0x21: {  	[spmem:s2] =	stream.indirect.scatter.add.f32 [tilespmem:s16], [sflag:$0x2], $0x80, s31, s15, $0xb8;
	[tilespmem:$0x1CC00] =	vst v63  }
0x22: {  	_ =	swait.ge [sflag:s12], $0x4000  }
0x23: {  	s20 =	simm.s32 $0x400;
	s19 =	simm.s32 $0x80;
	[sflag:s12] =	ssyncset.done $0x0  }
.LBB2_2:
0x24: {  	s21 =	sadd.s32 $0x13C00, s19  }
0x25: {  	[sflag:s12] =	ssyncadd.s32 $0xFFFFC000;
	s22 =	smov.u32 s20;
	s23 =	sadd.s32 $0x200, s20  }
0x26: {  	[tilespmem:s16], [sflag:$0x1] =	stream.indirect.gather [hbm4b:s4+s15], $0x80, s21, s15, $0xb8;
	[tilespmem:$0x1CC00] =	vst v63  }
0x27: {  	p0 =	sne.s32 s20, $0x9C00;
	_ =	swait.ge [sflag:s17], $0x4000  }
.Ltmp0:
0x28: {  	[sflag:s17] =	ssyncset.done $0x0;
	(pc) =	sbr.rel @p0 .LBB2_2-.Ltmp0, $4  }
0x29: {  	s19 =	sadd.s32 $0x16400, s19;
	[sflag:s17] =	ssyncadd.s32 $0xFFFFC000  }
0x2a: {  	[spmem:s2] =	stream.indirect.scatter.add.f32 [tilespmem:s16], [sflag:$0x2], $0x80, s19, s15, $0xb8;
	[tilespmem:$0x1CC00] =	vst v63  }
0x2b: {  	_ =	swait.ge [sflag:s12], $0x4000  }
0x2c: {  	s20 =	smov.u32 s23;
	s19 =	sshra.s32 s22, $0x2;
	[sflag:s12] =	ssyncset.done $0x0  }
0x2d: {  	s20 =	sadd.s32 $0x13C00, s19;
	[sflag:s12] =	ssyncadd.s32 $0xFFFFC000  }
0x2e: {  	[tilespmem:s16], [sflag:$0x1] =	stream.indirect.gather [hbm4b:s4+s15], $0x80, s20, s15, $0xb8;
	[tilespmem:$0x1CC00] =	vst v63  }
0x2f: {  	_ =	swait.ge [sflag:s17], $0x4000  }
0x30: {  	[sflag:s17] =	ssyncset.done $0x0  }
0x31: {  	s31 =	sadd.s32 $0x16400, s19;
	[sflag:s17] =	ssyncadd.s32 $0xFFFFC000  }
0x32: {  	[spmem:s2] =	stream.indirect.scatter.add.f32 [tilespmem:s16], [sflag:$0x2], $0x80, s31, s15, $0xb8;
	[tilespmem:$0x1CC00] =	vst v63  }
0x33: {  	_ =	swait.ge [sflag:s12], $0x4000  }
0x34: {  	s18 =	sadd.s32 $0x1, s18;
	[sflag:s12] =	ssyncset.done $0x0  }
0x35: {  	p0 =	sne.s32 s18, s10;
	[sflag:s12] =	ssyncadd.s32 $0xFFFFC000  }
.Ltmp1:
0x36: {  	[bflag:$0x0] =	sbarrier.arrive $0xFFFF;
	(pc) =	sbr.rel @p0 .LBB2_1-.Ltmp1, $4  }
0x37: {  	[hbm:s9], [sflag:s6] =	dma.local [spmem:s11], $0x2780  }
0x38: {  	_ =	swait.ge [sflag:s12], $0x2780  }
0x39: {  	[sflag:s12] =	ssyncset.done $0x0  }
0x3a: {  	[sflag:s12] =	ssyncadd.s32 $0xFFFFD880  }
0x3b: {  	_ =	sfence.sel $0x180000  }
0x3c: {  	[bflag:$0x0] =	sbarrier.arrive $0xFFFF  }
0x3d: {  	p0 =	sne.s32 s0, $0x0;
	_ =	strace $0x90000050  }
0x3e: {  	s0 =	sadd.s32 @!p0 $0x100000, s1;
	[bflag:$0x2] =	sbarrier.arrive $0xFFFF  }
0x3f: {  	[sflag:s0] =	ssyncadd.tile.s32 @!p0 $0x1;
	_ =	shalt  }
.Lfunc_end2:
_tile_overlayer_lowered:
.L_overlay_start_2:
0x40: {  	(tag) =	ssettag $0x2  }
0x41: {  	s0 =	rddreg [dreg:$0x0];
	s2 =	stileid.u32  }
0x42: {  	s1 =	rddreg [dreg:$0x1];
	p0 =	sne.s32 s2, $0x0  }
0x43: {  	s3 =	rddreg [dreg:$0x2];
	[bflag:$0x3] =	sbarrier.arrive $0xFFFF;
	s2 =	simm.s32 @!p0 $0x1C02  }
0x44: {  	[timem:s3], [sflag:s2] =	dma.local @!p0 [hbm:s0], s1  }
0x45: {  	s0 =	simm.s32 @!p0 $0x2  }
0x46: {  	_ =	swait.ge @!p0 [sflag:s0], s1  }
0x47: {  	s1 =	ssub.s32 @!p0 $0x0, s1;
	[sflag:s0] =	ssyncset.done @!p0 $0x0  }
0x48: {  	[sflag:s0] =	ssyncadd.s32 @!p0 s1  }
0x49: {  	[bflag:$0x3] =	sbarrier.arrive $0xFFFF  }
0x4a: {  	_ =	shalt  }

</sc_bundles>
